<compile_context>
chip_gen: v7x
topology: tpu7x:2x2x1
jax: 0.10.2.dev20260603
libtpu: 0.0.44.dev20260713+nightly
codegen_flags: <defaults>
</compile_context>

<pallas_src>
import functools
import jax
import jax.numpy as jnp
from jax import lax
from jax.experimental import pallas as pl
from jax.experimental.pallas import tpu as pltpu

_N = 10000
_E = 160000
_B = 64
_NMAX = 512
_NHID = 256
_ALPHA = 0.5
_K = 100
_KPAD = 128
_HEADS = 4
_DH = _NHID // _HEADS
_NPAD = 10752
_NW = _NMAX + 8


def _attn_body(counts_ref, starts_ref, x_ref, sc_ref,
               wq_ref, bq_ref, wk_ref, bk_ref, wv_ref, bv_ref,
               wo_ref, bo_ref, wr_ref, br_ref, out_ref):
    b = pl.program_id(0)
    start = starts_ref[b]
    count = counts_ref[b]
    base = pl.multiple_of((start // 8) * 8, 8)
    r = start - base

    xs = x_ref[pl.ds(base, _NW), :]

    iota_s = lax.broadcasted_iota(jnp.int32, (_NW, 1), 0)
    validnode = (iota_s >= r) & (iota_s < r + count)
    validf = validnode.astype(jnp.float32)

    score = sc_ref[pl.ds(base, _NW), :]
    score = jnp.where(validnode, score, -1e9)

    eye = (lax.broadcasted_iota(jnp.int32, (_NW, _NW), 0)
           == lax.broadcasted_iota(jnp.int32, (_NW, _NW), 1)
           ).astype(jnp.float32)
    s_row = lax.dot_general(score, eye, (((0,), (0,)), ((), ())),
                            preferred_element_type=jnp.float32, precision=lax.Precision.HIGHEST)

    cmp = (score > s_row).astype(jnp.float32) * (1.0 - eye)
    rank = jnp.sum(cmp, axis=0, keepdims=True)
    iota_k = lax.broadcasted_iota(jnp.int32, (_KPAD, 1), 0).astype(jnp.float32)
    sel = (rank == iota_k).astype(jnp.float32)

    topv = jnp.dot(sel, score, preferred_element_type=jnp.float32, precision=lax.Precision.HIGHEST)
    gate = jnp.tanh(topv) * (topv > -1e8).astype(jnp.float32)

    xp = jnp.dot(sel, xs, preferred_element_type=jnp.float32, precision=lax.Precision.HIGHEST) * gate

    q = jnp.dot(xp, wq_ref[...], preferred_element_type=jnp.float32, precision=lax.Precision.HIGHEST) + bq_ref[...]
    kg = (jnp.dot(xs, wk_ref[...], preferred_element_type=jnp.float32, precision=lax.Precision.HIGHEST)
          + bk_ref[...]) * validf
    vg = (jnp.dot(xs, wv_ref[...], preferred_element_type=jnp.float32, precision=lax.Precision.HIGHEST)
          + bv_ref[...]) * validf

    iota_l = lax.broadcasted_iota(jnp.int32, (1, _NW), 1)
    key_mask = (iota_l >= r) & (iota_l < r + count)
    scale = 1.0 / (_DH ** 0.5)
    heads = []
    for hh in range(_HEADS):
        qh = q[:, hh * _DH:(hh + 1) * _DH]
        kh = kg[:, hh * _DH:(hh + 1) * _DH]
        vh = vg[:, hh * _DH:(hh + 1) * _DH]
        logits = lax.dot_general(qh, kh, (((1,), (1,)), ((), ())),
                                 preferred_element_type=jnp.float32, precision=lax.Precision.HIGHEST) * scale
        logits = jnp.where(key_mask, logits, -1e9)
        m = jnp.max(logits, axis=1, keepdims=True)
        e = jnp.exp(logits - m)
        att = e / jnp.sum(e, axis=1, keepdims=True)
        heads.append(jnp.dot(att, vh, preferred_element_type=jnp.float32, precision=lax.Precision.HIGHEST))
    o = q + jnp.concatenate(heads, axis=1)
    o = o + jnp.maximum(
        jnp.dot(o, wo_ref[...], preferred_element_type=jnp.float32, precision=lax.Precision.HIGHEST) + bo_ref[...],
        0.0)

    y = jnp.dot(wr_ref[...], o, preferred_element_type=jnp.float32, precision=lax.Precision.HIGHEST) + br_ref[...]
    out_ref[...] = y.reshape(1, 1, _NHID)


def _full(shape):
    nd = len(shape)
    return pl.BlockSpec(shape, lambda b, *_, _n=nd: (0,) * _n)


def _dense_attention(counts, starts, x_pad, sc_pad, wq, bq,
                     wk, bk, wv, bv, wo, bo, wr, br):
    grid_spec = pltpu.PrefetchScalarGridSpec(
        num_scalar_prefetch=2,
        grid=(_B,),
        in_specs=[
            _full((_NPAD, _NHID)),
            _full((_NPAD, 1)),
            _full((_NHID, _NHID)),
            _full((1, _NHID)),
            _full((_NHID, _NHID)),
            _full((1, _NHID)),
            _full((_NHID, _NHID)),
            _full((1, _NHID)),
            _full((_NHID, _NHID)),
            _full((1, _NHID)),
            _full((1, _KPAD)),
            _full((1, _NHID)),
        ],
        out_specs=pl.BlockSpec((1, 1, _NHID), lambda b, *_: (b, 0, 0)),
    )
    f = pl.pallas_call(
        _attn_body,
        grid_spec=grid_spec,
        out_shape=jax.ShapeDtypeStruct((_B, 1, _NHID), jnp.float32),
        compiler_params=pltpu.CompilerParams(
            dimension_semantics=("arbitrary",)),
    )
    return f(counts, starts, x_pad, sc_pad, wq, bq, wk, bk,
             wv, bv, wo, bo, wr, br)


def kernel(x, edge_index, batch, w1, b1, w2, b2, wq, bq, wk, bk, wv, bv,
           wo, bo, w_read, b_read):
    src = edge_index[0]
    dst = edge_index[1]

    s1 = x @ w1 + b1
    h = x @ w2 + b2
    deg = jnp.bincount(dst, length=_N).astype(jnp.float32) + 1.0
    norm = 1.0 / jnp.sqrt(deg[src] * deg[dst])
    agg = jnp.zeros((_N, 1), dtype=jnp.float32).at[dst].add(norm[:, None] * h[src])
    s2 = agg + h / deg[:, None]
    score = _ALPHA * s1 + (1.0 - _ALPHA) * s2
    counts = jnp.zeros((_B,), jnp.int32).at[batch].add(1)

    starts = (jnp.cumsum(counts) - counts).astype(jnp.int32)

    x_pad = jnp.zeros((_NPAD, _NHID), jnp.float32).at[:_N].set(x)
    sc_pad = jnp.full((_NPAD, 1), -1e9, jnp.float32).at[:_N].set(score)

    wr = jnp.zeros((1, _KPAD), jnp.float32).at[0, :_K].set(w_read)
    br = jnp.broadcast_to(b_read, (1, _NHID))

    y = _dense_attention(counts, starts, x_pad, sc_pad,
                         wq, bq.reshape(1, _NHID), wk, bk.reshape(1, _NHID),
                         wv, bv.reshape(1, _NHID), wo, bo.reshape(1, _NHID),
                         wr, br)
    return y.reshape(_B, _NHID)

# --- scband reference (transcript-rebuilt; emitter-appended) ---
"""Pipeline reference for scband-pool-att-60078002536519 (READ-ONLY COPY).

The authoritative reference and input builder live on the scoring server;
editing this copy changes nothing except your own understanding.
"""

import jax, jax.numpy as jnp
import numpy as np

N = 10000
E = 160000
B = 64
NMAX = 512
NHID = 256
ALPHA = 0.5
RATIO = 100
HEADS = 4


def setup_inputs(seed: int = 0):
    key = jax.random.key(seed)
    ks = jax.random.split(key, 20)
    inp = {}
    inp['x'] = jax.random.normal(ks[0], (N, NHID), dtype=jnp.float32)
    inp['edge_index'] = jax.random.randint(ks[1], (2, E), 0, N, dtype=jnp.int32)
    inp['batch'] = jnp.sort(jax.random.randint(ks[2], (N,), 0, B, dtype=jnp.int32))
    inp['w1'] = jax.random.normal(ks[3], (NHID, 1), dtype=jnp.float32) * 0.05
    inp['b1'] = jnp.zeros((1,), dtype=jnp.float32)
    inp['w2'] = jax.random.normal(ks[4], (NHID, 1), dtype=jnp.float32) * 0.05
    inp['b2'] = jnp.zeros((1,), dtype=jnp.float32)
    inp['wq'] = jax.random.normal(ks[5], (NHID, NHID), dtype=jnp.float32) * 0.05
    inp['bq'] = jnp.zeros((NHID,), dtype=jnp.float32)
    inp['wk'] = jax.random.normal(ks[6], (NHID, NHID), dtype=jnp.float32) * 0.05
    inp['bk'] = jnp.zeros((NHID,), dtype=jnp.float32)
    inp['wv'] = jax.random.normal(ks[7], (NHID, NHID), dtype=jnp.float32) * 0.05
    inp['bv'] = jnp.zeros((NHID,), dtype=jnp.float32)
    inp['wo'] = jax.random.normal(ks[8], (NHID, NHID), dtype=jnp.float32) * 0.05
    inp['bo'] = jnp.zeros((NHID,), dtype=jnp.float32)
    inp['w_read'] = jax.random.normal(ks[9], (RATIO,), dtype=jnp.float32) * 0.05
    inp['b_read'] = jnp.zeros((1,), dtype=jnp.float32)
    return inp


def reference(x, edge_index, batch, w1, b1, w2, b2, wq, bq, wk, bk, wv, bv, wo, bo, w_read, b_read):
    src = edge_index[0]
    dst = edge_index[1]
    # GLAPool: global score (linear) + local score (degree-normalized neighbor aggregation)
    s1 = x @ w1 + b1
    h = x @ w2 + b2
    deg = jnp.bincount(dst, length=N).astype(jnp.float32) + 1.0
    norm = 1.0 / jnp.sqrt(deg[src] * deg[dst])
    agg = jnp.zeros((N, 1), dtype=jnp.float32).at[dst].add(norm[:, None] * h[src])
    s2 = agg + h / deg[:, None]
    score = (ALPHA * s1 + (1.0 - ALPHA) * s2)[:, 0]
    # dense batch of node features / scores
    counts = jnp.bincount(batch, length=B)
    starts = jnp.concatenate([jnp.zeros((1,), dtype=counts.dtype), jnp.cumsum(counts)[:-1]])
    pos = jnp.arange(N, dtype=jnp.int32) - starts[batch].astype(jnp.int32)
    dense_x = jnp.zeros((B, NMAX, NHID), dtype=jnp.float32).at[batch, pos].set(x)
    mask = jnp.zeros((B, NMAX), dtype=bool).at[batch, pos].set(True)
    dense_s = jnp.full((B, NMAX), -1e9, dtype=jnp.float32).at[batch, pos].set(score)
    # per-graph top-k selection (ratio nodes), gated by tanh(score)
    topv, topi = jax.lax.top_k(dense_s, RATIO)
    valid = topv > -1e8
    xp = jnp.take_along_axis(dense_x, topi[:, :, None], axis=1) * jnp.tanh(topv)[:, :, None]
    xp = xp * valid[:, :, None].astype(jnp.float32)
    # MAB: multihead attention block, queries = pooled nodes, keys/values = all graph nodes
    Q = xp @ wq + bq
    Kd = jnp.zeros((B, NMAX, NHID), dtype=jnp.float32).at[batch, pos].set(x @ wk + bk)
    Vd = jnp.zeros((B, NMAX, NHID), dtype=jnp.float32).at[batch, pos].set(x @ wv + bv)
    dh = NHID // HEADS
    Qh = Q.reshape(B, RATIO, HEADS, dh).transpose(0, 2, 1, 3)
    Kh = Kd.reshape(B, NMAX, HEADS, dh).transpose(0, 2, 1, 3)
    Vh = Vd.reshape(B, NMAX, HEADS, dh).transpose(0, 2, 1, 3)
    logits = jnp.einsum('bhqd,bhkd->bhqk', Qh, Kh) / jnp.sqrt(float(dh))
    logits = jnp.where(mask[:, None, None, :], logits, -1e9)
    att = jax.nn.softmax(logits, axis=-1)
    Oh = jnp.einsum('bhqk,bhkd->bhqd', att, Vh)
    O = Q + Oh.transpose(0, 2, 1, 3).reshape(B, RATIO, NHID)
    O = O + jax.nn.relu(O @ wo + bo)
    # readout: Conv1d(ratio, 1, 1) then squeeze -> [B, nhid]
    y = jnp.einsum('brd,r->bd', O, w_read) + b_read
    return y

if __name__ == "__main__":
    import jax
    _d = setup_inputs()
    print(jax.jit(kernel)(*tuple(_d.values())))

</pallas_src>

<mosaic_0001>
module attributes {stable_mosaic.version = 14 : i64} {
  func.func @_attn_body(%arg0: i32, %arg1: memref<64xi32, #tpu.memory_space<smem>>, %arg2: memref<64xi32, #tpu.memory_space<smem>>, %arg3: memref<10752x256xf32, #tpu.memory_space<vmem>>, %arg4: memref<10752x1xf32, #tpu.memory_space<vmem>>, %arg5: memref<256x256xf32, #tpu.memory_space<vmem>>, %arg6: memref<1x256xf32, #tpu.memory_space<vmem>>, %arg7: memref<256x256xf32, #tpu.memory_space<vmem>>, %arg8: memref<1x256xf32, #tpu.memory_space<vmem>>, %arg9: memref<256x256xf32, #tpu.memory_space<vmem>>, %arg10: memref<1x256xf32, #tpu.memory_space<vmem>>, %arg11: memref<256x256xf32, #tpu.memory_space<vmem>>, %arg12: memref<1x256xf32, #tpu.memory_space<vmem>>, %arg13: memref<1x128xf32, #tpu.memory_space<vmem>>, %arg14: memref<1x256xf32, #tpu.memory_space<vmem>>, %arg15: memref<1x1x256xf32, #tpu.memory_space<vmem>>) attributes {dimension_semantics = [#tpu.dimension_semantics<arbitrary>], iteration_bounds = array<i64: 64>, scalar_prefetch = 2 : i64, scratch_operands = 0 : i64, tpu.core_type = #tpu.core_type<tc>, window_params = [{pipeline_mode = #tpu.pipeline_mode<synchronous>, transform_indices = @transform_0, window_bounds = array<i64: 10752, 256>}, {pipeline_mode = #tpu.pipeline_mode<synchronous>, transform_indices = @transform_1, window_bounds = array<i64: 10752, 1>}, {pipeline_mode = #tpu.pipeline_mode<synchronous>, transform_indices = @transform_2, window_bounds = array<i64: 256, 256>}, {pipeline_mode = #tpu.pipeline_mode<synchronous>, transform_indices = @transform_3, window_bounds = array<i64: 1, 256>}, {pipeline_mode = #tpu.pipeline_mode<synchronous>, transform_indices = @transform_4, window_bounds = array<i64: 256, 256>}, {pipeline_mode = #tpu.pipeline_mode<synchronous>, transform_indices = @transform_5, window_bounds = array<i64: 1, 256>}, {pipeline_mode = #tpu.pipeline_mode<synchronous>, transform_indices = @transform_6, window_bounds = array<i64: 256, 256>}, {pipeline_mode = #tpu.pipeline_mode<synchronous>, transform_indices = @transform_7, window_bounds = array<i64: 1, 256>}, {pipeline_mode = #tpu.pipeline_mode<synchronous>, transform_indices = @transform_8, window_bounds = array<i64: 256, 256>}, {pipeline_mode = #tpu.pipeline_mode<synchronous>, transform_indices = @transform_9, window_bounds = array<i64: 1, 256>}, {pipeline_mode = #tpu.pipeline_mode<synchronous>, transform_indices = @transform_10, window_bounds = array<i64: 1, 128>}, {pipeline_mode = #tpu.pipeline_mode<synchronous>, transform_indices = @transform_11, window_bounds = array<i64: 1, 256>}, {transform_indices = @transform_12, window_bounds = array<i64: 1, 1, 256>}]} {
    %get3A = arith.index_cast %arg0 : i32 to index
    %get3A_0 = memref.load %arg2[%get3A] : memref<64xi32, #tpu.memory_space<smem>>
    %get3A_1 = arith.index_cast %arg0 : i32 to index
    %get3A_2 = memref.load %arg1[%get3A_1] : memref<64xi32, #tpu.memory_space<smem>>
    %jit3A = arith.constant 8 : i32
    %div3A = arith.divsi %get3A_0, %jit3A : i32
    %sign3A = arith.constant 0 : i32
    %sign3A_3 = arith.cmpi sgt, %get3A_0, %sign3A : i32
    %sign3A_4 = arith.extui %sign3A_3 : i1 to i32
    %sign3A_5 = arith.constant 0 : i32
    %sign3A_6 = arith.cmpi slt, %get3A_0, %sign3A_5 : i32
    %sign3A_7 = arith.extui %sign3A_6 : i1 to i32
    %sign3A_8 = arith.subi %sign3A_4, %sign3A_7 : i32
    %sign3A_9 = arith.constant 0 : i32
    %sign3A_10 = arith.cmpi sgt, %jit3A, %sign3A_9 : i32
    %sign3A_11 = arith.extui %sign3A_10 : i1 to i32
    %sign3A_12 = arith.constant 0 : i32
    %sign3A_13 = arith.cmpi slt, %jit3A, %sign3A_12 : i32
    %sign3A_14 = arith.extui %sign3A_13 : i1 to i32
    %sign3A_15 = arith.subi %sign3A_11, %sign3A_14 : i32
    %ne3A = arith.cmpi ne, %sign3A_8, %sign3A_15 : i32
    %rem3A = arith.remsi %get3A_0, %jit3A : i32
    %ne3A_16 = arith.constant 0 : i32
    %ne3A_17 = arith.cmpi ne, %rem3A, %ne3A_16 : i32
    %and3A = arith.andi %ne3A, %ne3A_17 : i1
    %sub3A = arith.constant 1 : i32
    %sub3A_18 = arith.subi %div3A, %sub3A : i32
    %select_n3A = arith.select %and3A, %sub3A_18, %div3A : i32
    %mul3A = arith.constant 8 : i32
    %mul3A_19 = arith.muli %select_n3A, %mul3A : i32
    %multiple_of3A = tpu.assume_multiple %mul3A_19, 8 : i32
    %sub3A_20 = arith.subi %get3A_0, %multiple_of3A : i32
    %get3A_21 = arith.index_cast %multiple_of3A : i32 to index
    %get3A_22 = arith.constant 0 : index
    %get3A_23 = vector.load %arg3[%get3A_21, %get3A_22] : memref<10752x256xf32, #tpu.memory_space<vmem>>, vector<520x256xf32>
    %iota3A = tpu.iota {dimensions = array<i32: 0>} : vector<520x1xi32>
    %ge3A = vector.broadcast %sub3A_20 : i32 to vector<520x1xi32>
    %ge3A_24 = arith.cmpi sge, %iota3A, %ge3A : vector<520x1xi32>
    %add3A = arith.addi %sub3A_20, %get3A_2 : i32
    %lt3A = vector.broadcast %add3A : i32 to vector<520x1xi32>
    %lt3A_25 = arith.cmpi slt, %iota3A, %lt3A : vector<520x1xi32>
    %and3A_26 = arith.andi %ge3A_24, %lt3A_25 : vector<520x1xi1>
    %convert_element_type3A = arith.extui %and3A_26 : vector<520x1xi1> to vector<520x1xi32>
    %convert_element_type3A_27 = arith.sitofp %convert_element_type3A : vector<520x1xi32> to vector<520x1xf32>
    %get3A_28 = arith.index_cast %multiple_of3A : i32 to index
    %get3A_29 = arith.constant 0 : index
    %get3A_30 = vector.load %arg4[%get3A_28, %get3A_29] : memref<10752x1xf32, #tpu.memory_space<vmem>>, vector<520x1xf32>
    %jit3A_31 = arith.constant -1.000000e+09 : f32
    %broadcast_in_dim3A = vector.broadcast %jit3A_31 : f32 to vector<520x1xf32>
    %select_n3A_32 = arith.select %and3A_26, %get3A_30, %broadcast_in_dim3A : vector<520x1xi1>, vector<520x1xf32>
    %iota3A_33 = tpu.iota {dimensions = array<i32: 0>} : vector<520x520xi32>
    %iota3A_34 = tpu.iota {dimensions = array<i32: 1>} : vector<520x520xi32>
    %eq3A = arith.cmpi eq, %iota3A_33, %iota3A_34 : vector<520x520xi32>
    %convert_element_type3A_35 = arith.extui %eq3A : vector<520x520xi1> to vector<520x520xi32>
    %convert_element_type3A_36 = arith.sitofp %convert_element_type3A_35 : vector<520x520xi32> to vector<520x520xf32>
    %dot_general3A = arith.constant dense<0.000000e+00> : vector<1x520xf32>
    %dot_general3A_37 = tpu.matmul %select_n3A_32, %convert_element_type3A_36, %dot_general3A {dimension_numbers = #tpu.dot_dimension_numbers<[0], [0], [1], [1], [0, 1, 1, 1], [], []>, precision = #tpu.contract_precision<fp32>, transpose_lhs_hint = false} : vector<520x1xf32>, vector<520x520xf32>, vector<1x520xf32> -> vector<1x520xf32>
    %gt3A = vector.broadcast %select_n3A_32 : vector<520x1xf32> to vector<520x520xf32>
    %gt3A_38 = vector.broadcast %dot_general3A_37 : vector<1x520xf32> to vector<520x520xf32>
    %gt3A_39 = arith.cmpf ogt, %gt3A, %gt3A_38 : vector<520x520xf32>
    %convert_element_type3A_40 = arith.extui %gt3A_39 : vector<520x520xi1> to vector<520x520xi32>
    %convert_element_type3A_41 = arith.sitofp %convert_element_type3A_40 : vector<520x520xi32> to vector<520x520xf32>
    %sub3A_42 = arith.constant 1.000000e+00 : f32
    %sub3A_43 = vector.broadcast %sub3A_42 : f32 to vector<520x520xf32>
    %sub3A_44 = arith.subf %sub3A_43, %convert_element_type3A_36 : vector<520x520xf32>
    %mul3A_45 = arith.mulf %convert_element_type3A_41, %sub3A_44 : vector<520x520xf32>
    %reduce_sum3A = arith.constant dense<0.000000e+00> : vector<520xf32>
    %reduce_sum3A_46 = vector.multi_reduction <add>, %mul3A_45, %reduce_sum3A [0] : vector<520x520xf32> to vector<520xf32>
    %broadcast_in_dim3A_47 = vector.shape_cast %reduce_sum3A_46 : vector<520xf32> to vector<1x520xf32>
    %iota3A_48 = tpu.iota {dimensions = array<i32: 0>} : vector<128x1xi32>
    %convert_element_type3A_49 = arith.sitofp %iota3A_48 : vector<128x1xi32> to vector<128x1xf32>
    %eq3A_50 = vector.broadcast %broadcast_in_dim3A_47 : vector<1x520xf32> to vector<128x520xf32>
    %eq3A_51 = vector.broadcast %convert_element_type3A_49 : vector<128x1xf32> to vector<128x520xf32>
    %eq3A_52 = arith.cmpf oeq, %eq3A_50, %eq3A_51 : vector<128x520xf32>
    %convert_element_type3A_53 = arith.extui %eq3A_52 : vector<128x520xi1> to vector<128x520xi32>
    %convert_element_type3A_54 = arith.sitofp %convert_element_type3A_53 : vector<128x520xi32> to vector<128x520xf32>
    %dot_general3A_55 = arith.constant dense<0.000000e+00> : vector<128x1xf32>
    %dot_general3A_56 = tpu.matmul %convert_element_type3A_54, %select_n3A_32, %dot_general3A_55 {dimension_numbers = #tpu.dot_dimension_numbers<[1], [0], [0], [1], [0, 0, 1, 1], [], []>, precision = #tpu.contract_precision<fp32>, transpose_lhs_hint = false} : vector<128x520xf32>, vector<520x1xf32>, vector<128x1xf32> -> vector<128x1xf32>
    %tanh3A = math.tanh %dot_general3A_56 : vector<128x1xf32>
    %gt3A_57 = arith.constant -1.000000e+08 : f32
    %gt3A_58 = vector.broadcast %gt3A_57 : f32 to vector<128x1xf32>
    %gt3A_59 = arith.cmpf ogt, %dot_general3A_56, %gt3A_58 : vector<128x1xf32>
    %convert_element_type3A_60 = arith.extui %gt3A_59 : vector<128x1xi1> to vector<128x1xi32>
    %convert_element_type3A_61 = arith.sitofp %convert_element_type3A_60 : vector<128x1xi32> to vector<128x1xf32>
    %mul3A_62 = arith.mulf %tanh3A, %convert_element_type3A_61 : vector<128x1xf32>
    %dot_general3A_63 = arith.constant dense<0.000000e+00> : vector<128x256xf32>
    %dot_general3A_64 = tpu.matmul %convert_element_type3A_54, %get3A_23, %dot_general3A_63 {dimension_numbers = #tpu.dot_dimension_numbers<[1], [0], [0], [1], [0, 0, 1, 1], [], []>, precision = #tpu.contract_precision<fp32>, transpose_lhs_hint = false} : vector<128x520xf32>, vector<520x256xf32>, vector<128x256xf32> -> vector<128x256xf32>
    %mul3A_65 = vector.broadcast %mul3A_62 : vector<128x1xf32> to vector<128x256xf32>
    %mul3A_66 = arith.mulf %dot_general3A_64, %mul3A_65 : vector<128x256xf32>
    %get3A_67 = arith.constant 0 : index
    %get3A_68 = arith.constant 0 : index
    %get3A_69 = vector.load %arg5[%get3A_67, %get3A_68] : memref<256x256xf32, #tpu.memory_space<vmem>>, vector<256x256xf32>
    %dot_general3A_70 = arith.constant dense<0.000000e+00> : vector<128x256xf32>
    %dot_general3A_71 = tpu.matmul %mul3A_66, %get3A_69, %dot_general3A_70 {dimension_numbers = #tpu.dot_dimension_numbers<[1], [0], [0], [1], [0, 0, 1, 1], [], []>, precision = #tpu.contract_precision<fp32>, transpose_lhs_hint = false} : vector<128x256xf32>, vector<256x256xf32>, vector<128x256xf32> -> vector<128x256xf32>
    %get3A_72 = arith.constant 0 : index
    %get3A_73 = arith.constant 0 : index
    %get3A_74 = vector.load %arg6[%get3A_72, %get3A_73] : memref<1x256xf32, #tpu.memory_space<vmem>>, vector<1x256xf32>
    %add3A_75 = vector.broadcast %get3A_74 : vector<1x256xf32> to vector<128x256xf32>
    %add3A_76 = arith.addf %dot_general3A_71, %add3A_75 : vector<128x256xf32>
    %get3A_77 = arith.constant 0 : index
    %get3A_78 = arith.constant 0 : index
    %get3A_79 = vector.load %arg7[%get3A_77, %get3A_78] : memref<256x256xf32, #tpu.memory_space<vmem>>, vector<256x256xf32>
    %dot_general3A_80 = arith.constant dense<0.000000e+00> : vector<520x256xf32>
    %dot_general3A_81 = tpu.matmul %get3A_23, %get3A_79, %dot_general3A_80 {dimension_numbers = #tpu.dot_dimension_numbers<[1], [0], [0], [1], [0, 0, 1, 1], [], []>, precision = #tpu.contract_precision<fp32>, transpose_lhs_hint = false} : vector<520x256xf32>, vector<256x256xf32>, vector<520x256xf32> -> vector<520x256xf32>
    %get3A_82 = arith.constant 0 : index
    %get3A_83 = arith.constant 0 : index
    %get3A_84 = vector.load %arg8[%get3A_82, %get3A_83] : memref<1x256xf32, #tpu.memory_space<vmem>>, vector<1x256xf32>
    %add3A_85 = vector.broadcast %get3A_84 : vector<1x256xf32> to vector<520x256xf32>
    %add3A_86 = arith.addf %dot_general3A_81, %add3A_85 : vector<520x256xf32>
    %mul3A_87 = vector.broadcast %convert_element_type3A_27 : vector<520x1xf32> to vector<520x256xf32>
    %mul3A_88 = arith.mulf %add3A_86, %mul3A_87 : vector<520x256xf32>
    %get3A_89 = arith.constant 0 : index
    %get3A_90 = arith.constant 0 : index
    %get3A_91 = vector.load %arg9[%get3A_89, %get3A_90] : memref<256x256xf32, #tpu.memory_space<vmem>>, vector<256x256xf32>
    %dot_general3A_92 = arith.constant dense<0.000000e+00> : vector<520x256xf32>
    %dot_general3A_93 = tpu.matmul %get3A_23, %get3A_91, %dot_general3A_92 {dimension_numbers = #tpu.dot_dimension_numbers<[1], [0], [0], [1], [0, 0, 1, 1], [], []>, precision = #tpu.contract_precision<fp32>, transpose_lhs_hint = false} : vector<520x256xf32>, vector<256x256xf32>, vector<520x256xf32> -> vector<520x256xf32>
    %get3A_94 = arith.constant 0 : index
    %get3A_95 = arith.constant 0 : index
    %get3A_96 = vector.load %arg10[%get3A_94, %get3A_95] : memref<1x256xf32, #tpu.memory_space<vmem>>, vector<1x256xf32>
    %add3A_97 = vector.broadcast %get3A_96 : vector<1x256xf32> to vector<520x256xf32>
    %add3A_98 = arith.addf %dot_general3A_93, %add3A_97 : vector<520x256xf32>
    %mul3A_99 = vector.broadcast %convert_element_type3A_27 : vector<520x1xf32> to vector<520x256xf32>
    %mul3A_100 = arith.mulf %add3A_98, %mul3A_99 : vector<520x256xf32>
    %iota3A_101 = tpu.iota {dimensions = array<i32: 1>} : vector<1x520xi32>
    %ge3A_102 = vector.broadcast %sub3A_20 : i32 to vector<1x520xi32>
    %ge3A_103 = arith.cmpi sge, %iota3A_101, %ge3A_102 : vector<1x520xi32>
    %add3A_104 = arith.addi %sub3A_20, %get3A_2 : i32
    %lt3A_105 = vector.broadcast %add3A_104 : i32 to vector<1x520xi32>
    %lt3A_106 = arith.cmpi slt, %iota3A_101, %lt3A_105 : vector<1x520xi32>
    %and3A_107 = arith.andi %ge3A_103, %lt3A_106 : vector<1x520xi1>
    %slice3A = vector.extract_strided_slice %add3A_76 {offsets = [0, 0], sizes = [128, 64], strides = [1, 1]} : vector<128x256xf32> to vector<128x64xf32>
    %slice3A_108 = vector.extract_strided_slice %mul3A_88 {offsets = [0, 0], sizes = [520, 64], strides = [1, 1]} : vector<520x256xf32> to vector<520x64xf32>
    %slice3A_109 = vector.extract_strided_slice %mul3A_100 {offsets = [0, 0], sizes = [520, 64], strides = [1, 1]} : vector<520x256xf32> to vector<520x64xf32>
    %dot_general3A_110 = arith.constant dense<0.000000e+00> : vector<128x520xf32>
    %dot_general3A_111 = tpu.matmul %slice3A, %slice3A_108, %dot_general3A_110 {dimension_numbers = #tpu.dot_dimension_numbers<[1], [1], [0], [0], [0, 0, 1, 0], [], []>, precision = #tpu.contract_precision<fp32>, transpose_lhs_hint = false} : vector<128x64xf32>, vector<520x64xf32>, vector<128x520xf32> -> vector<128x520xf32>
    %mul3A_112 = arith.constant 1.250000e-01 : f32
    %mul3A_113 = vector.broadcast %mul3A_112 : f32 to vector<128x520xf32>
    %mul3A_114 = arith.mulf %dot_general3A_111, %mul3A_113 : vector<128x520xf32>
    %jit3A_115 = arith.constant -1.000000e+09 : f32
    %broadcast_in_dim3A_116 = vector.shape_cast %and3A_107 : vector<1x520xi1> to vector<1x520xi1>
    %broadcast_in_dim3A_117 = vector.broadcast %broadcast_in_dim3A_116 : vector<1x520xi1> to vector<128x520xi1>
    %broadcast_in_dim3A_118 = vector.broadcast %jit3A_115 : f32 to vector<128x520xf32>
    %select_n3A_119 = arith.select %broadcast_in_dim3A_117, %mul3A_114, %broadcast_in_dim3A_118 : vector<128x520xi1>, vector<128x520xf32>
    %reduce_max3A = arith.constant dense<0xFF800000> : vector<128xf32>
    %reduce_max3A_120 = vector.multi_reduction <maximumf>, %select_n3A_119, %reduce_max3A [1] : vector<128x520xf32> to vector<128xf32>
    %broadcast_in_dim3A_121 = vector.shape_cast %reduce_max3A_120 : vector<128xf32> to vector<128x1xf32>
    %sub3A_122 = vector.broadcast %broadcast_in_dim3A_121 : vector<128x1xf32> to vector<128x520xf32>
    %sub3A_123 = arith.subf %select_n3A_119, %sub3A_122 : vector<128x520xf32>
    %exp3A = math.exp %sub3A_123 : vector<128x520xf32>
    %reduce_sum3A_124 = arith.constant dense<0.000000e+00> : vector<128xf32>
    %reduce_sum3A_125 = vector.multi_reduction <add>, %exp3A, %reduce_sum3A_124 [1] : vector<128x520xf32> to vector<128xf32>
    %broadcast_in_dim3A_126 = vector.shape_cast %reduce_sum3A_125 : vector<128xf32> to vector<128x1xf32>
    %div3A_127 = vector.broadcast %broadcast_in_dim3A_126 : vector<128x1xf32> to vector<128x520xf32>
    %div3A_128 = arith.divf %exp3A, %div3A_127 : vector<128x520xf32>
    %dot_general3A_129 = arith.constant dense<0.000000e+00> : vector<128x64xf32>
    %dot_general3A_130 = tpu.matmul %div3A_128, %slice3A_109, %dot_general3A_129 {dimension_numbers = #tpu.dot_dimension_numbers<[1], [0], [0], [1], [0, 0, 1, 1], [], []>, precision = #tpu.contract_precision<fp32>, transpose_lhs_hint = false} : vector<128x520xf32>, vector<520x64xf32>, vector<128x64xf32> -> vector<128x64xf32>
    %slice3A_131 = vector.extract_strided_slice %add3A_76 {offsets = [0, 64], sizes = [128, 64], strides = [1, 1]} : vector<128x256xf32> to vector<128x64xf32>
    %slice3A_132 = vector.extract_strided_slice %mul3A_88 {offsets = [0, 64], sizes = [520, 64], strides = [1, 1]} : vector<520x256xf32> to vector<520x64xf32>
    %slice3A_133 = vector.extract_strided_slice %mul3A_100 {offsets = [0, 64], sizes = [520, 64], strides = [1, 1]} : vector<520x256xf32> to vector<520x64xf32>
    %dot_general3A_134 = arith.constant dense<0.000000e+00> : vector<128x520xf32>
    %dot_general3A_135 = tpu.matmul %slice3A_131, %slice3A_132, %dot_general3A_134 {dimension_numbers = #tpu.dot_dimension_numbers<[1], [1], [0], [0], [0, 0, 1, 0], [], []>, precision = #tpu.contract_precision<fp32>, transpose_lhs_hint = false} : vector<128x64xf32>, vector<520x64xf32>, vector<128x520xf32> -> vector<128x520xf32>
    %mul3A_136 = arith.constant 1.250000e-01 : f32
    %mul3A_137 = vector.broadcast %mul3A_136 : f32 to vector<128x520xf32>
    %mul3A_138 = arith.mulf %dot_general3A_135, %mul3A_137 : vector<128x520xf32>
    %jit3A_139 = arith.constant -1.000000e+09 : f32
    %broadcast_in_dim3A_140 = vector.shape_cast %and3A_107 : vector<1x520xi1> to vector<1x520xi1>
    %broadcast_in_dim3A_141 = vector.broadcast %broadcast_in_dim3A_140 : vector<1x520xi1> to vector<128x520xi1>
    %broadcast_in_dim3A_142 = vector.broadcast %jit3A_139 : f32 to vector<128x520xf32>
    %select_n3A_143 = arith.select %broadcast_in_dim3A_141, %mul3A_138, %broadcast_in_dim3A_142 : vector<128x520xi1>, vector<128x520xf32>
    %reduce_max3A_144 = arith.constant dense<0xFF800000> : vector<128xf32>
    %reduce_max3A_145 = vector.multi_reduction <maximumf>, %select_n3A_143, %reduce_max3A_144 [1] : vector<128x520xf32> to vector<128xf32>
    %broadcast_in_dim3A_146 = vector.shape_cast %reduce_max3A_145 : vector<128xf32> to vector<128x1xf32>
    %sub3A_147 = vector.broadcast %broadcast_in_dim3A_146 : vector<128x1xf32> to vector<128x520xf32>
    %sub3A_148 = arith.subf %select_n3A_143, %sub3A_147 : vector<128x520xf32>
    %exp3A_149 = math.exp %sub3A_148 : vector<128x520xf32>
    %reduce_sum3A_150 = arith.constant dense<0.000000e+00> : vector<128xf32>
    %reduce_sum3A_151 = vector.multi_reduction <add>, %exp3A_149, %reduce_sum3A_150 [1] : vector<128x520xf32> to vector<128xf32>
    %broadcast_in_dim3A_152 = vector.shape_cast %reduce_sum3A_151 : vector<128xf32> to vector<128x1xf32>
    %div3A_153 = vector.broadcast %broadcast_in_dim3A_152 : vector<128x1xf32> to vector<128x520xf32>
    %div3A_154 = arith.divf %exp3A_149, %div3A_153 : vector<128x520xf32>
    %dot_general3A_155 = arith.constant dense<0.000000e+00> : vector<128x64xf32>
    %dot_general3A_156 = tpu.matmul %div3A_154, %slice3A_133, %dot_general3A_155 {dimension_numbers = #tpu.dot_dimension_numbers<[1], [0], [0], [1], [0, 0, 1, 1], [], []>, precision = #tpu.contract_precision<fp32>, transpose_lhs_hint = false} : vector<128x520xf32>, vector<520x64xf32>, vector<128x64xf32> -> vector<128x64xf32>
    %slice3A_157 = vector.extract_strided_slice %add3A_76 {offsets = [0, 128], sizes = [128, 64], strides = [1, 1]} : vector<128x256xf32> to vector<128x64xf32>
    %slice3A_158 = vector.extract_strided_slice %mul3A_88 {offsets = [0, 128], sizes = [520, 64], strides = [1, 1]} : vector<520x256xf32> to vector<520x64xf32>
    %slice3A_159 = vector.extract_strided_slice %mul3A_100 {offsets = [0, 128], sizes = [520, 64], strides = [1, 1]} : vector<520x256xf32> to vector<520x64xf32>
    %dot_general3A_160 = arith.constant dense<0.000000e+00> : vector<128x520xf32>
    %dot_general3A_161 = tpu.matmul %slice3A_157, %slice3A_158, %dot_general3A_160 {dimension_numbers = #tpu.dot_dimension_numbers<[1], [1], [0], [0], [0, 0, 1, 0], [], []>, precision = #tpu.contract_precision<fp32>, transpose_lhs_hint = false} : vector<128x64xf32>, vector<520x64xf32>, vector<128x520xf32> -> vector<128x520xf32>
    %mul3A_162 = arith.constant 1.250000e-01 : f32
    %mul3A_163 = vector.broadcast %mul3A_162 : f32 to vector<128x520xf32>
    %mul3A_164 = arith.mulf %dot_general3A_161, %mul3A_163 : vector<128x520xf32>
    %jit3A_165 = arith.constant -1.000000e+09 : f32
    %broadcast_in_dim3A_166 = vector.shape_cast %and3A_107 : vector<1x520xi1> to vector<1x520xi1>
    %broadcast_in_dim3A_167 = vector.broadcast %broadcast_in_dim3A_166 : vector<1x520xi1> to vector<128x520xi1>
    %broadcast_in_dim3A_168 = vector.broadcast %jit3A_165 : f32 to vector<128x520xf32>
    %select_n3A_169 = arith.select %broadcast_in_dim3A_167, %mul3A_164, %broadcast_in_dim3A_168 : vector<128x520xi1>, vector<128x520xf32>
    %reduce_max3A_170 = arith.constant dense<0xFF800000> : vector<128xf32>
    %reduce_max3A_171 = vector.multi_reduction <maximumf>, %select_n3A_169, %reduce_max3A_170 [1] : vector<128x520xf32> to vector<128xf32>
    %broadcast_in_dim3A_172 = vector.shape_cast %reduce_max3A_171 : vector<128xf32> to vector<128x1xf32>
    %sub3A_173 = vector.broadcast %broadcast_in_dim3A_172 : vector<128x1xf32> to vector<128x520xf32>
    %sub3A_174 = arith.subf %select_n3A_169, %sub3A_173 : vector<128x520xf32>
    %exp3A_175 = math.exp %sub3A_174 : vector<128x520xf32>
    %reduce_sum3A_176 = arith.constant dense<0.000000e+00> : vector<128xf32>
    %reduce_sum3A_177 = vector.multi_reduction <add>, %exp3A_175, %reduce_sum3A_176 [1] : vector<128x520xf32> to vector<128xf32>
    %broadcast_in_dim3A_178 = vector.shape_cast %reduce_sum3A_177 : vector<128xf32> to vector<128x1xf32>
    %div3A_179 = vector.broadcast %broadcast_in_dim3A_178 : vector<128x1xf32> to vector<128x520xf32>
    %div3A_180 = arith.divf %exp3A_175, %div3A_179 : vector<128x520xf32>
    %dot_general3A_181 = arith.constant dense<0.000000e+00> : vector<128x64xf32>
    %dot_general3A_182 = tpu.matmul %div3A_180, %slice3A_159, %dot_general3A_181 {dimension_numbers = #tpu.dot_dimension_numbers<[1], [0], [0], [1], [0, 0, 1, 1], [], []>, precision = #tpu.contract_precision<fp32>, transpose_lhs_hint = false} : vector<128x520xf32>, vector<520x64xf32>, vector<128x64xf32> -> vector<128x64xf32>
    %slice3A_183 = vector.extract_strided_slice %add3A_76 {offsets = [0, 192], sizes = [128, 64], strides = [1, 1]} : vector<128x256xf32> to vector<128x64xf32>
    %slice3A_184 = vector.extract_strided_slice %mul3A_88 {offsets = [0, 192], sizes = [520, 64], strides = [1, 1]} : vector<520x256xf32> to vector<520x64xf32>
    %slice3A_185 = vector.extract_strided_slice %mul3A_100 {offsets = [0, 192], sizes = [520, 64], strides = [1, 1]} : vector<520x256xf32> to vector<520x64xf32>
    %dot_general3A_186 = arith.constant dense<0.000000e+00> : vector<128x520xf32>
    %dot_general3A_187 = tpu.matmul %slice3A_183, %slice3A_184, %dot_general3A_186 {dimension_numbers = #tpu.dot_dimension_numbers<[1], [1], [0], [0], [0, 0, 1, 0], [], []>, precision = #tpu.contract_precision<fp32>, transpose_lhs_hint = false} : vector<128x64xf32>, vector<520x64xf32>, vector<128x520xf32> -> vector<128x520xf32>
    %mul3A_188 = arith.constant 1.250000e-01 : f32
    %mul3A_189 = vector.broadcast %mul3A_188 : f32 to vector<128x520xf32>
    %mul3A_190 = arith.mulf %dot_general3A_187, %mul3A_189 : vector<128x520xf32>
    %jit3A_191 = arith.constant -1.000000e+09 : f32
    %broadcast_in_dim3A_192 = vector.shape_cast %and3A_107 : vector<1x520xi1> to vector<1x520xi1>
    %broadcast_in_dim3A_193 = vector.broadcast %broadcast_in_dim3A_192 : vector<1x520xi1> to vector<128x520xi1>
    %broadcast_in_dim3A_194 = vector.broadcast %jit3A_191 : f32 to vector<128x520xf32>
    %select_n3A_195 = arith.select %broadcast_in_dim3A_193, %mul3A_190, %broadcast_in_dim3A_194 : vector<128x520xi1>, vector<128x520xf32>
    %reduce_max3A_196 = arith.constant dense<0xFF800000> : vector<128xf32>
    %reduce_max3A_197 = vector.multi_reduction <maximumf>, %select_n3A_195, %reduce_max3A_196 [1] : vector<128x520xf32> to vector<128xf32>
    %broadcast_in_dim3A_198 = vector.shape_cast %reduce_max3A_197 : vector<128xf32> to vector<128x1xf32>
    %sub3A_199 = vector.broadcast %broadcast_in_dim3A_198 : vector<128x1xf32> to vector<128x520xf32>
    %sub3A_200 = arith.subf %select_n3A_195, %sub3A_199 : vector<128x520xf32>
    %exp3A_201 = math.exp %sub3A_200 : vector<128x520xf32>
    %reduce_sum3A_202 = arith.constant dense<0.000000e+00> : vector<128xf32>
    %reduce_sum3A_203 = vector.multi_reduction <add>, %exp3A_201, %reduce_sum3A_202 [1] : vector<128x520xf32> to vector<128xf32>
    %broadcast_in_dim3A_204 = vector.shape_cast %reduce_sum3A_203 : vector<128xf32> to vector<128x1xf32>
    %div3A_205 = vector.broadcast %broadcast_in_dim3A_204 : vector<128x1xf32> to vector<128x520xf32>
    %div3A_206 = arith.divf %exp3A_201, %div3A_205 : vector<128x520xf32>
    %dot_general3A_207 = arith.constant dense<0.000000e+00> : vector<128x64xf32>
    %dot_general3A_208 = tpu.matmul %div3A_206, %slice3A_185, %dot_general3A_207 {dimension_numbers = #tpu.dot_dimension_numbers<[1], [0], [0], [1], [0, 0, 1, 1], [], []>, precision = #tpu.contract_precision<fp32>, transpose_lhs_hint = false} : vector<128x520xf32>, vector<520x64xf32>, vector<128x64xf32> -> vector<128x64xf32>
    %concatenate3A = tpu.concatenate %dot_general3A_130, %dot_general3A_156, %dot_general3A_182, %dot_general3A_208 in 1 : vector<128x64xf32>, vector<128x64xf32>, vector<128x64xf32>, vector<128x64xf32> -> vector<128x256xf32>
    %add3A_209 = arith.addf %add3A_76, %concatenate3A : vector<128x256xf32>
    %get3A_210 = arith.constant 0 : index
    %get3A_211 = arith.constant 0 : index
    %get3A_212 = vector.load %arg11[%get3A_210, %get3A_211] : memref<256x256xf32, #tpu.memory_space<vmem>>, vector<256x256xf32>
    %dot_general3A_213 = arith.constant dense<0.000000e+00> : vector<128x256xf32>
    %dot_general3A_214 = tpu.matmul %add3A_209, %get3A_212, %dot_general3A_213 {dimension_numbers = #tpu.dot_dimension_numbers<[1], [0], [0], [1], [0, 0, 1, 1], [], []>, precision = #tpu.contract_precision<fp32>, transpose_lhs_hint = false} : vector<128x256xf32>, vector<256x256xf32>, vector<128x256xf32> -> vector<128x256xf32>
    %get3A_215 = arith.constant 0 : index
    %get3A_216 = arith.constant 0 : index
    %get3A_217 = vector.load %arg12[%get3A_215, %get3A_216] : memref<1x256xf32, #tpu.memory_space<vmem>>, vector<1x256xf32>
    %add3A_218 = vector.broadcast %get3A_217 : vector<1x256xf32> to vector<128x256xf32>
    %add3A_219 = arith.addf %dot_general3A_214, %add3A_218 : vector<128x256xf32>
    %max3A = arith.constant 0.000000e+00 : f32
    %max3A_220 = vector.broadcast %max3A : f32 to vector<128x256xf32>
    %max3A_221 = arith.maximumf %add3A_219, %max3A_220 : vector<128x256xf32>
    %add3A_222 = arith.addf %add3A_209, %max3A_221 : vector<128x256xf32>
    %get3A_223 = arith.constant 0 : index
    %get3A_224 = arith.constant 0 : index
    %get3A_225 = vector.load %arg13[%get3A_223, %get3A_224] : memref<1x128xf32, #tpu.memory_space<vmem>>, vector<1x128xf32>
    %dot_general3A_226 = arith.constant dense<0.000000e+00> : vector<1x256xf32>
    %dot_general3A_227 = tpu.matmul %get3A_225, %add3A_222, %dot_general3A_226 {dimension_numbers = #tpu.dot_dimension_numbers<[1], [0], [0], [1], [0, 0, 1, 1], [], []>, precision = #tpu.contract_precision<fp32>, transpose_lhs_hint = false} : vector<1x128xf32>, vector<128x256xf32>, vector<1x256xf32> -> vector<1x256xf32>
    %get3A_228 = arith.constant 0 : index
    %get3A_229 = arith.constant 0 : index
    %get3A_230 = vector.load %arg14[%get3A_228, %get3A_229] : memref<1x256xf32, #tpu.memory_space<vmem>>, vector<1x256xf32>
    %add3A_231 = arith.addf %dot_general3A_227, %get3A_230 : vector<1x256xf32>
    %reshape3A = vector.shape_cast %add3A_231 : vector<1x256xf32> to vector<1x1x256xf32>
    %swap3A = arith.constant 0 : index
    %swap3A_232 = arith.constant 0 : index
    %swap3A_233 = arith.constant 0 : index
    %swap3A_234 = vector.load %arg15[%swap3A, %swap3A_232, %swap3A_233] : memref<1x1x256xf32, #tpu.memory_space<vmem>>, vector<1x1x256xf32>
    tpu.vector_store %arg15[%swap3A, %swap3A_232, %swap3A_233], %reshape3A {strides = array<i32>} : memref<1x1x256xf32, #tpu.memory_space<vmem>>, vector<1x1x256xf32>,
    return
  }
  func.func @transform_0(%arg0: i32, %arg1: memref<64xi32, #tpu.memory_space<smem>>, %arg2: memref<64xi32, #tpu.memory_space<smem>>) -> (i32, i32) {
    %c0_i32 = arith.constant 0 : i32
    %c0_i32_0 = arith.constant 0 : i32
    %c0_i32_1 = arith.constant 0 : i32
    return %c0_i32, %c0_i32_0 : i32, i32
  }
  func.func @transform_1(%arg0: i32, %arg1: memref<64xi32, #tpu.memory_space<smem>>, %arg2: memref<64xi32, #tpu.memory_space<smem>>) -> (i32, i32) {
    %c0_i32 = arith.constant 0 : i32
    %c0_i32_0 = arith.constant 0 : i32
    %c0_i32_1 = arith.constant 0 : i32
    return %c0_i32, %c0_i32_0 : i32, i32
  }
  func.func @transform_2(%arg0: i32, %arg1: memref<64xi32, #tpu.memory_space<smem>>, %arg2: memref<64xi32, #tpu.memory_space<smem>>) -> (i32, i32) {
    %c0_i32 = arith.constant 0 : i32
    %c0_i32_0 = arith.constant 0 : i32
    %c0_i32_1 = arith.constant 0 : i32
    return %c0_i32, %c0_i32_0 : i32, i32
  }
  func.func @transform_3(%arg0: i32, %arg1: memref<64xi32, #tpu.memory_space<smem>>, %arg2: memref<64xi32, #tpu.memory_space<smem>>) -> (i32, i32) {
    %c0_i32 = arith.constant 0 : i32
    %c0_i32_0 = arith.constant 0 : i32
    %c0_i32_1 = arith.constant 0 : i32
    return %c0_i32, %c0_i32_0 : i32, i32
  }
  func.func @transform_4(%arg0: i32, %arg1: memref<64xi32, #tpu.memory_space<smem>>, %arg2: memref<64xi32, #tpu.memory_space<smem>>) -> (i32, i32) {
    %c0_i32 = arith.constant 0 : i32
    %c0_i32_0 = arith.constant 0 : i32
    %c0_i32_1 = arith.constant 0 : i32
    return %c0_i32, %c0_i32_0 : i32, i32
  }
  func.func @transform_5(%arg0: i32, %arg1: memref<64xi32, #tpu.memory_space<smem>>, %arg2: memref<64xi32, #tpu.memory_space<smem>>) -> (i32, i32) {
    %c0_i32 = arith.constant 0 : i32
    %c0_i32_0 = arith.constant 0 : i32
    %c0_i32_1 = arith.constant 0 : i32
    return %c0_i32, %c0_i32_0 : i32, i32
  }
  func.func @transform_6(%arg0: i32, %arg1: memref<64xi32, #tpu.memory_space<smem>>, %arg2: memref<64xi32, #tpu.memory_space<smem>>) -> (i32, i32) {
    %c0_i32 = arith.constant 0 : i32
    %c0_i32_0 = arith.constant 0 : i32
    %c0_i32_1 = arith.constant 0 : i32
    return %c0_i32, %c0_i32_0 : i32, i32
  }
  func.func @transform_7(%arg0: i32, %arg1: memref<64xi32, #tpu.memory_space<smem>>, %arg2: memref<64xi32, #tpu.memory_space<smem>>) -> (i32, i32) {
    %c0_i32 = arith.constant 0 : i32
    %c0_i32_0 = arith.constant 0 : i32
    %c0_i32_1 = arith.constant 0 : i32
    return %c0_i32, %c0_i32_0 : i32, i32
  }
  func.func @transform_8(%arg0: i32, %arg1: memref<64xi32, #tpu.memory_space<smem>>, %arg2: memref<64xi32, #tpu.memory_space<smem>>) -> (i32, i32) {
    %c0_i32 = arith.constant 0 : i32
    %c0_i32_0 = arith.constant 0 : i32
    %c0_i32_1 = arith.constant 0 : i32
    return %c0_i32, %c0_i32_0 : i32, i32
  }
  func.func @transform_9(%arg0: i32, %arg1: memref<64xi32, #tpu.memory_space<smem>>, %arg2: memref<64xi32, #tpu.memory_space<smem>>) -> (i32, i32) {
    %c0_i32 = arith.constant 0 : i32
    %c0_i32_0 = arith.constant 0 : i32
    %c0_i32_1 = arith.constant 0 : i32
    return %c0_i32, %c0_i32_0 : i32, i32
  }
  func.func @transform_10(%arg0: i32, %arg1: memref<64xi32, #tpu.memory_space<smem>>, %arg2: memref<64xi32, #tpu.memory_space<smem>>) -> (i32, i32) {
    %c0_i32 = arith.constant 0 : i32
    %c0_i32_0 = arith.constant 0 : i32
    %c0_i32_1 = arith.constant 0 : i32
    return %c0_i32, %c0_i32_0 : i32, i32
  }
  func.func @transform_11(%arg0: i32, %arg1: memref<64xi32, #tpu.memory_space<smem>>, %arg2: memref<64xi32, #tpu.memory_space<smem>>) -> (i32, i32) {
    %c0_i32 = arith.constant 0 : i32
    %c0_i32_0 = arith.constant 0 : i32
    %c0_i32_1 = arith.constant 0 : i32
    return %c0_i32, %c0_i32_0 : i32, i32
  }
  func.func @transform_12(%arg0: i32, %arg1: memref<64xi32, #tpu.memory_space<smem>>, %arg2: memref<64xi32, #tpu.memory_space<smem>>) -> (i32, i32, i32) {
    %c0_i32 = arith.constant 0 : i32
    %c0_i32_0 = arith.constant 0 : i32
    %c0_i32_1 = arith.constant 0 : i32
    return %arg0, %c0_i32, %c0_i32_0 : i32, i32, i32
  }
}

</mosaic_0001>

<sc_bundles>
// kernel: scatter_offload_async_start.1
scs
__scs_entry_jumppad:
0x0: {  	(pc) =	sbr.rel $0x88, $3  }
0x1: {  	(tag) =	ssettag $0x0;
	lr =	simm.s32 $0x1  }
0x2: {  	[smem:$0x3F90] =	sst lr;
	_ =	strace $0xD0000000  }
0x3: {  	_ = 	snop  }
0x4: {  	_ = 	snop  }
0x5: {  	_ = 	snop  }
0x6: {  	_ = 	snop  }
0x7: {  	_ = 	snop  }
__scs_overlays_trampoline_lowered:
0x8: {  	[smem:$0x3F9F] =	sst s0  }
0x9: {  	[smem:$0x3FA0] =	sst s1  }
0xa: {  	[smem:$0x3FA1] =	sst s2  }
0xb: {  	[smem:$0x3FA2] =	sst s3  }
0xc: {  	[smem:$0x3FA3] =	sst s4  }
0xd: {  	[smem:$0x3FA4] =	sst s5  }
0xe: {  	[smem:$0x3FA5] =	sst s6  }
0xf: {  	[smem:$0x3FA6] =	sst s7  }
0x10: {  	[smem:$0x3FA7] =	sst s8  }
0x11: {  	[smem:$0x3FA8] =	sst s9;
	s0 =	simm.s32 @!p0 $0x0  }
0x12: {  	s1 =	sld [smem:$0x3F8E];
	s0 =	simm.s32 @p0 $0x1  }
0x13: {  	[smem:$0x3FA9] =	sst s0;
	s0 =	simm.s32 @!p1 $0x0  }
0x14: {  	s2 =	sld [smem:$0x3F8D];
	s0 =	simm.s32 @p1 $0x1  }
0x15: {  	[smem:$0x3FAA] =	sst s0;
	s0 =	simm.s32 @!p2 $0x0  }
0x16: {  	s3 =	sld [smem:$0x3FDB];
	s0 =	simm.s32 @p2 $0x1  }
0x17: {  	s4 =	simm.s32 $0x1BF5;
	[smem:$0x3FAC] =	sst s0  }
0x18: {  	s0 =	sld [smem:$0x3F8F];
	_ =	swait.ge [sflag:s4], $0x0  }
0x19: {  	s7 =	sld [smem:$0x3F90]  }
0x1a: {  	s8 =	sadd.s32 $0xFFFFE003, lr  }
0x1b: {  	s9 =	sadd.s32 $0xFFFFFEF7, lr;
	s5 =	simm.s32 $0xFFFFFFFF;
	p2 =	slt.u32 s8, $0xFFFFF086  }
0x1c: {  	p1 =	slt.u32 s9, $0xF7A;
	s5 =	simm.s32 @!p2 $0x0  }
0x1d: {  	s5 =	simm.s32 @p1 $0x1;
	p0 =	seq.s32 s7, s2  }
0x1e: {  	s7 =	smul.u32 @!p0 $0xF7A, s2;
	p2 =	seq.s32 @!p0 s5, $0x0  }
0x1f: {  	s9 =	smul.u32 $0xF7A, s1;
	s8 =	simm.s32 @!p0 $0x1BF5;
	p2 =	por !p2, p0  }
0x20: {  	[sflag:s8] =	ssyncset.s32 @!p0 $0xFFFFF086;
	s6 =	sadd.s32 @!p0 s3, s7;
	s7 =	simm.s32 @!p0 $0x108  }
0x21: {  	s3 =	sadd.s32 s3, s9;
	s6 =	sadd.s32 @!p0 $0x88, s6;
	s7 =	simm.s32 @p2 $0x1082  }
0x22: {  	[simem:s7], [sflag:s8] =	dma.local @!p0 [hbm:s6], $0xF7A  }
0x23: {  	s9 =	sor.u32 $0xD0000000, s2;
	s6 =	simm.s32 $0x108;
	_ =	swait.ge @!p0 [sflag:s8], $0x0  }
0x24: {  	s3 =	sadd.s32 $0x88, s3;
	s6 =	simm.s32 @!p1 $0x1082;
	[sflag:s4] =	ssyncset.s32 $0xFFFFF086  }
0x25: {  	[simem:s6], [sflag:s4] =	dma.local [hbm:s3], $0xF7A  }
0x26: {  	[smem:$0x3F90] =	sst s1;
	(tag) =	ssettag s2;
	_ =	strace s9  }
0x27: {  	s1 =	sld [smem:$0x3FA0]  }
0x28: {  	s2 =	sld [smem:$0x3FA1]  }
0x29: {  	s4 =	sld [smem:$0x3FA3]  }
0x2a: {  	p0 =	seq.s32 s5, $0x0;
	s5 =	sld [smem:$0x3FA4]  }
0x2b: {  	s6 =	sld [smem:$0x3FA5]  }
0x2c: {  	s7 =	sld [smem:$0x3FA6]  }
0x2d: {  	s3 =	simm.s32 $0x108;
	s8 =	sld [smem:$0x3FA7]  }
0x2e: {  	s3 =	simm.s32 @!p0 $0x1082;
	s9 =	sld [smem:$0x3FA8]  }
0x2f: {  	lr =	sadd.s32 s0, s3;
	s0 =	sld [smem:$0x3F9F]  }
0x30: {  	s3 =	sld [smem:$0x3FA2]  }
0x31: {  	[smem:$0x3FAB] =	sst s10  }
0x32: {  	s10 =	sld [smem:$0x3FA9];
	_ =	sdelay $0x3  }
0x33: {  	p0 =	seq.s32 s10, $0x1;
	s10 =	sld [smem:$0x3FAB];
	_ =	sdelay $0x3  }
0x34: {  	[smem:$0x3FAB] =	sst s10  }
0x35: {  	s10 =	sld [smem:$0x3FAA];
	_ =	sdelay $0x3  }
0x36: {  	p1 =	seq.s32 s10, $0x1;
	s10 =	sld [smem:$0x3FAB];
	_ =	sdelay $0x3  }
0x37: {  	[smem:$0x3FAB] =	sst s10  }
0x38: {  	s10 =	sld [smem:$0x3FAC]  }
0x39: {  	_ = 	snop;
	(pc) =	sbr.ind lr, $3  }
0x3a: {  	_ = 	snop  }
0x3b: {  	_ = 	snop  }
0x3c: {  	p2 =	seq.s32 s10, $0x1;
	s10 =	sld [smem:$0x3FAB]  }
0x3d: {  	_ =	shalt  }
0x3e: {  	_ =	shalt  }
0x3f: {  	_ =	shalt  }
0x40: {  	_ =	shalt  }
0x41: {  	_ =	shalt  }
0x42: {  	_ =	shalt  }
0x43: {  	_ =	shalt  }
0x44: {  	_ =	shalt  }
0x45: {  	_ =	shalt  }
0x46: {  	_ =	shalt  }
0x47: {  	_ =	shalt  }
0x48: {  	_ =	shalt  }
0x49: {  	_ =	shalt  }
0x4a: {  	_ =	shalt  }
0x4b: {  	_ =	shalt  }
0x4c: {  	_ =	shalt  }
0x4d: {  	_ =	shalt  }
0x4e: {  	_ =	shalt  }
0x4f: {  	_ =	shalt  }
0x50: {  	_ =	shalt  }
0x51: {  	_ =	shalt  }
0x52: {  	_ =	shalt  }
0x53: {  	_ =	shalt  }
0x54: {  	_ =	shalt  }
0x55: {  	_ =	shalt  }
0x56: {  	_ =	shalt  }
0x57: {  	_ =	shalt  }
0x58: {  	_ =	shalt  }
0x59: {  	_ =	shalt  }
0x5a: {  	_ =	shalt  }
0x5b: {  	_ =	shalt  }
0x5c: {  	_ =	shalt  }
0x5d: {  	_ =	shalt  }
0x5e: {  	_ =	shalt  }
0x5f: {  	_ =	shalt  }
0x60: {  	_ =	shalt  }
0x61: {  	_ =	shalt  }
0x62: {  	_ =	shalt  }
0x63: {  	_ =	shalt  }
0x64: {  	_ =	shalt  }
0x65: {  	_ =	shalt  }
0x66: {  	_ =	shalt  }
0x67: {  	_ =	shalt  }
0x68: {  	_ =	shalt  }
0x69: {  	_ =	shalt  }
0x6a: {  	_ =	shalt  }
0x6b: {  	_ =	shalt  }
0x6c: {  	_ =	shalt  }
0x6d: {  	_ =	shalt  }
0x6e: {  	_ =	shalt  }
0x6f: {  	_ =	shalt  }
0x70: {  	_ =	shalt  }
0x71: {  	_ =	shalt  }
0x72: {  	_ =	shalt  }
0x73: {  	_ =	shalt  }
0x74: {  	_ =	shalt  }
0x75: {  	_ =	shalt  }
0x76: {  	_ =	shalt  }
0x77: {  	_ =	shalt  }
0x78: {  	_ =	shalt  }
0x79: {  	_ =	shalt  }
0x7a: {  	_ =	shalt  }
0x7b: {  	_ =	shalt  }
0x7c: {  	_ =	shalt  }
0x7d: {  	_ =	shalt  }
0x7e: {  	_ =	shalt  }
0x7f: {  	_ =	shalt  }
0x80: {  	_ =	shalt  }
0x81: {  	_ =	shalt  }
0x82: {  	_ =	shalt  }
0x83: {  	_ =	shalt  }
0x84: {  	_ =	shalt  }
0x85: {  	_ =	shalt  }
0x86: {  	_ =	shalt  }
0x87: {  	_ =	shalt  }
.Lfunc_end0:
.L_simem_size_0:
called_computation.1_lowered:
.L_overlay_start_0:
0x88: {  	s0 =	sld [smem:$0x3FD9]  }
0x89: {  	s1 =	sld [smem:$0x3FFE];
	_ =	sdelay $0x3  }
0x8a: {  	s0 =	sadd.s32 s1, s0  }
0x8b: {  	[smem:$0x3FB7] =	sst s0  }
0x8c: {  	_ = 	snop  }
0x8d: {  	s0 =	sld [smem:$0x3FD0];
	(tm) =	ssettm $0x1  }
0x8e: {  	s16 =	sld [smem:$0x3FFB];
	_ =	sdelay $0x3  }
0x8f: {  	_ =	strace s16  }
0x90: {  	s1 =	sld [smem:$0x3FFC];
	_ =	sdelay $0x3  }
0x91: {  	_ =	strace s1  }
0x92: {  	s1 =	sld [smem:$0x3FFD];
	_ =	sdelay $0x3  }
0x93: {  	_ =	strace s1  }
0x94: {  	_ =	strace $0x8FFFFFFF  }
0x95: {  	s17 =	sld [smem:$0x3FDB];
	_ =	sdelay $0x1  }
0x96: {  	s2 =	simm.s32 $_scs_section_size  }
0x97: {  	s3 =	simm.s32 $_size__tile_overlayer_lowered;
	s4 =	simm.s32 $_tile_overlayer_lowered  }
0x98: {  	s20 =	simm.s32 $0x1BFF;
	s19 =	sshll.u32 s4, $0x1;
	s1 =	sadd.s32 s2, s17  }
0x99: {  	s5 =	simm.s32 $0x0;
	s18 =	sshll.u32 s3, $0x1;
	s3 =	sadd.s32 s19, s1  }
0x9a: {  	[timem:s5], [sflag:s20] =	dma.local [hbm:s3], s18  }
0x9b: {  	_ =	swait.ge [sflag:s20], s18  }
0x9c: {  	s2 =	ssub.s32 $0x0, s18;
	[sflag:s20] =	ssyncset.done $0x0  }
0x9d: {  	[sflag:s20] =	ssyncadd.s32 s2;
	_ =	sdelay $0x1  }
0x9e: {  	s21 =	simm.s32 $0x1B8B  }
0x9f: {  	_ =	swait.ge [sflag:s21], $0x1  }
0xa0: {  	[sflag:s21] =	ssyncset.done $0x0  }
0xa1: {  	s23 =	simm.s32 $0x1B8E;
	s22 =	sld [smem:$0x3FFE];
	[sflag:s21] =	ssyncadd.s32 $0xFFFFFFFF  }
0xa2: {  	s24 =	simm.s32 $execute0_lowered;
	[smem:$0x3FD2] =	sst s23  }
0xa3: {  	s3 =	sshll.u32 s24, $0x1;
	_ =	strace $0x8000004C;
	[dreg:$0x1] =	wrdreg $0xFFFFFFFF  }
0xa4: {  	s25 =	simm.s32 $_size_execute0_lowered;
	s1 =	sadd.s32 s1, s3;
	[dreg:$0x0] =	wrdreg $0x0  }
0xa5: {  	s3 =	sshll.u32 s25, $0x1;
	[dreg:$0x2] =	wrdreg s1  }
0xa6: {  	[dreg:$0x3] =	wrdreg s3  }
0xa7: {  	[dreg:$0x4] =	wrdreg $0xC0  }
0xa8: {  	_ =	task [dreg:s5], $0x5FFFF  }
0xa9: {  	[dreg:$0x1] =	wrdreg $0xFFFFFFFF  }
0xaa: {  	[dreg:$0x0] =	wrdreg $0x60  }
0xab: {  	[dreg:$0x2] =	wrdreg s0  }
0xac: {  	[dreg:$0x3] =	wrdreg s22  }
0xad: {  	[dreg:$0x4] =	wrdreg $0x9  }
0xae: {  	_ =	task.clear_ibuf [dreg:s5], $0x5FFFF;
	_ =	strace $0x9000004C  }
0xaf: {  	s26 =	simm.s32 $0x9;
	_ =	strace $0x8000004E  }
0xb0: {  	_ =	swait.ge [sflag:s26], $0x1  }
0xb1: {  	[sflag:s26] =	ssyncadd.s32 $0xFFFFFFFF  }
0xb2: {  	_ =	strace $0x9000004E  }
0xb3: {  	_ =	sfence  }
0xb4: {  	s28 =	sld [smem:$0x0];
	_ =	sdelay $0x1  }
0xb5: {  	s29 =	srdreg.scid  }
0xb6: {  	s30 =	sshll.u32 s29, $0xD;
	s31 =	sshrl.u32 s29, $0x2  }
0xb7: {  	s2 =	sand.u32 $0x4000, s30;
	s1 =	sand.u32 $0x1, s29;
	s0 =	sadd.s32 s31, s28  }
0xb8: {  	s1 =	sor.u32 s2, s1;
	s0 =	sshll.u32 s0, $0x11  }
0xb9: {  	s0 =	sor.u32 s0, s1  }
0xba: {  	s0 =	sadd.s32 $0x8F2B, s0  }
0xbb: {  	[sflag:s0] =	ssyncadd.remote.s32 $0x1  }
0xbc: {  	_ =	sfence.sel $0xFFFF  }
0xbd: {  	[dreg:$0x0] =	wrdreg $0xFFFFFFFF;
	(pc) =	sbr.abs _section_cstart, $3  }
0xbe: {  	[dreg:$0x1] =	wrdreg $0xFFFFFFFF  }
0xbf: {  	_ =	task.clear_ibuf [dreg:s5], $0x2FFFF;
	_ =	strace $0x9FFFFFFF  }
0xc0: {  	(tm) =	ssettm $0x7FFFFFFF  }
0xc1: {  	_ =	shalt  }
tec
execute0_lowered:
.L_overlay_start_1:
0x0: {  	(tag) =	ssettag $0x1  }
0x1: {  	s1 =	rddreg [dreg:$0x0]  }
0x2: {  	s0 =	rddreg [dreg:$0x1];
	s14 =	stileid.u32  }
0x3: {  	_ =	strace $0x8000004D;
	s2 =	simm.s32 $0x1;
	s3 =	smin.u32 s14, $0x4  }
0x4: {  	v1 =	vimm.s32 $0xFFFFFFFF;
	[sflag:s2] =	ssyncpa.u1 $0x0;
	s3 =	sadd.s32 s14, s3  }
0x5: {  	s4 =	simm.s32 $0x3E80;
	p0 =	slt.u32 s14, $0x4;
	[tilespmem:$0x10] =	vst v1;
	s3 =	smul.u32 $0x1F40, s3  }
0x6: {  	v0 =	vimm.f32 $0.0e+00;
	[tilespmem:$0x20] =	vst v1;
	s4 =	simm.s32 @!p0 $0x1F40  }
0x7: {  	[tilespmem:$0x30] =	vst v0;
	s4 =	sadd.s32 s4, s3  }
0x8: {  	[tilespmem:$0x40] =	vst v0;
	s4 =	smin.u32 s4, $0x27100  }
0x9: {  	[tilespmem:$0x50] =	vst v0;
	s9 =	ssub.s32 s4, s3  }
0xa: {  	s7 =	simm.s32 $0x2;
	[tilespmem:$0x60] =	vst v1;
	p0 =	sgt.s32 s9, $0x0  }
0xb: {  	s8 =	simm.s32 $0x8;
	s31 =	simm.s32 $0x9;
	[tilespmem:$0x70] =	vst v1;
	s9 =	simm.s32 @!p0 $0x0  }
0xc: {  	s16 =	simm.s32 $0x0;
	s17 =	simm.s32 $0xF0;
	[tilespmem:$0x80] =	vst v1;
	s5 =	smulhi.u32 $0x10624DD3, s9  }
0xd: {  	s18 =	simm.s32 $0xFFFFFFFF;
	s19 =	simm.s32 $0xFFFFC280;
	s20 =	simm.s32 $0xFFFFFFFE;
	v1 =	vimm.s32 $0x0;
	[tilespmem:$0xB0] =	vst v0  }
0xe: {  	s21 =	simm.s32 $0xF;
	s25 =	simm.s32 $0x0;
	[tilespmem:$0x90] =	vst v1;
	s10 =	sshrl.u32 s5, $0x9  }
0xf: {  	[tilespmem:$0xA0] =	vst v1;
	[sflag:s7] =	ssyncpa.u1 $0x0;
	s7 =	simm.s32 $0x7;
	s11 =	smul.u32 $0x1F40, s10  }
0x10: {  	s24 =	simm.s32 $0x0;
	s6 =	sadd.s32 $0x59800, s0;
	[sflag:s7] =	ssyncpa.u1 $0x0  }
.Ltmp0:
0x11: {  	[sflag:s8] =	ssyncpa.u1 $0x0;
	p0 =	sne.s32 s9, s11;
	(pc) =	sbr.rel .LBB2_1-.Ltmp0, $4  }
0x12: {  	s23 =	smov.u32 s3;
	[sflag:s31] =	ssyncpa.u1 $0x0;
	s2 =	simm.s32 @!p0 $0x0  }
0x13: {  	s5 =	sadd.s32 $0x54800, s0;
	p0 =	por $0x0, $0x0;
	s9 =	sadd.s32 s2, s10  }
0x14: {  	vm0 =	vmmov $0xffff;
	v2 =	vlaneseq.u32;
	s10 =	sshll.u32 s14, $0x1;
	s14 =	sshllo.u32 s14, $0x1;
	s11 =	sadd.s32 $0x1, s9  }
0x15: {  	vm1 =	vmxor vm1, vm1;
	vm2 =	vmmov $0x1;
	vm3 =	vcmask $0x3F3C;
	s12 =	sadd.s32 $0x2, s9;
	s13 =	sor.u32 $0x81, s10;
	s15 =	sor.u32 $0x80, s10  }
.LBB2_9:
0x16: {  	p1 =	slt.u32 s24, $0x3  }
0x17: {  	s0 =	simm.s32 @!p1 $0x2  }
0x18: {  	_ =	swait.ge @!p1 [sflag:s0], $0x1F40  }
0x19: {  	[sflag:s0] =	ssyncset.done @!p1 $0x0  }
0x1a: {  	[sflag:s0] =	ssyncadd.s32 @!p1 $0xFFFFE0C0;
	s0 =	simm.s32 @!p1 $0x9  }
0x1b: {  	_ =	swait.ge @!p1 [sflag:s0], $0x10  }
0x1c: {  	[sflag:s0] =	ssyncset.done @!p1 $0x0  }
0x1d: {  	[sflag:s0] =	ssyncadd.s32 @!p1 $0xFFFFFFF0;
	p1 =	sne.s32 s24, s12  }
.Ltmp1:
0x1e: {  	s2 =	sadd.s32 $0x1F40, s23;
	(pc) =	sbr.rel @!p1 .LBB2_10-.Ltmp1, $4  }
0x1f: {  	s22 =	smov.u32 s3;
	s31 =	sadd.s32 $0x1, s24;
	s17 =	sadd.s32 $0x1F40, s17  }
0x20: {  	s18 =	sadd.s32 $0x1, s18;
	s25 =	smov.u32 s23;
	p2 =	slt.s32 s2, s4  }
0x21: {  	p0 =	por !p0, !p0;
	s19 =	sadd.s32 $0x1F40, s19;
	s22 =	smov.u32 @p2 s2  }
0x22: {  	s20 =	sadd.s32 $0x1, s20;
	s23 =	smov.u32 s22;
	s24 =	smov.u32 s31  }
.LBB2_1:
0x23: {  	p1 =	sge.u32 s24, s9  }
0x24: {  	s0 =	smulhi.u32 @!p1 $0xAAAAAAAB, s24;
	_ =	sdelay $0x1  }
0x25: {  	s0 =	sshrl.u32 @!p1 s0, $0x1  }
0x26: {  	s0 =	smul.u32 @!p1 $0x3, s0;
	_ =	sdelay $0x1  }
0x27: {  	s0 =	ssub.s32 @!p1 s24, s0  }
0x28: {  	s0 =	smul.u32 @!p1 $0x7D00, s0;
	_ =	sdelay $0x1  }
0x29: {  	s2 =	sshrl.u32 @!p1 s23, $0x3;
	s0 =	sshrl.u32 @!p1 s0, $0x2  }
0x2a: {  	s22 =	sand.u32 @!p1 $0x7, s23;
	s2 =	sadd.s32 @!p1 s5, s2;
	s0 =	sadd.s32 @!p1 $0x100, s0  }
0x2b: {  	[tilespmem:s0], [sflag:$0x7] =	stream.linear.gather @!p1 [hbm4b:s2+s22], $0x1F40, $0x38;
	[tilespmem:$0x11A60] =	vst v63  }
0x2c: {  	s0 =	sadd.s32 $0xFFFFFFFF, s24  }
0x2d: {  	p1 =	sge.u32 s0, s9  }
.Ltmp2:
0x2e: {  	_ = 	snop;
	(pc) =	sbr.rel @p1 .LBB2_5-.Ltmp2, $1  }
0x2f: {  	_ =	sdelay $0x3  }
0x30: {  	s2 =	smulhi.u32 $0xAAAAAAAB, s0;
	_ =	sdelay $0x1  }
0x31: {  	s2 =	sshrl.u32 s2, $0x1  }
0x32: {  	s2 =	smul.u32 $0x3, s2;
	_ =	sdelay $0x1  }
0x33: {  	s2 =	ssub.s32 s0, s2  }
0x34: {  	s2 =	smul.u32 $0x7D00, s2  }
0x35: {  	_ =	swait.ge [sflag:s7], $0x1F40  }
0x36: {  	[sflag:s7] =	ssyncset.done $0x0;
	s2 =	sshrl.u32 s2, $0x2  }
0x37: {  	[sflag:s7] =	ssyncadd.s32 $0xFFFFE0C0;
	(ifvalue) =	ssetifvalue $0xFFFFFFFF;
	v3 =	vld.msk [tilespmem:s2+$0x100 ss:$0x1], $0xffff;
	_ =	sdelay $0x2  }
0x38: {  	s30 =	smulhi.u32 $0xAAAAAAAB, s18;
	p1 =	sne.s32 s24, $0x1  }
0x39: {  	v4 =	vimm.s32 @!p1 $0x0  }
0x3a: {  	s2 =	sshrl.u32 s30, $0x1;
	v4 =	vperm.xlane @!p1 v3, v4  }
0x3b: {  	s22 =	sshll.u32 s24, $0x4;
	s2 =	smul.u32 $0xFFFE8900, s2;
	vm4 =	vlt.u32 v3, $0x2800  }
0x3c: {  	s22 =	sand.u32 $0x10, s22;
	v3 =	vnsel vm4, $0xFFFFFFFE, v3;
	vm4 =	vlt.u32 @!p1 v4, $0x2800  }
0x3d: {  	s2 =	sshra.s32 s2, $0x2;
	[tilespmem:s22+$0x60] =	vst v3;
	v3 =	vnsel @!p1 vm4, $0xFFFFFFFE, v4  }
0x3e: {  	s28 =	sadd.s32 s2, s17;
	[tilespmem:$0x80] =	vst @!p1 v3  }
0x3f: {  	v3 =	vld.msk [tilespmem:s28+$0x0 ss:$0x1], $0xffff;
	_ =	sdelay $0x4  }
0x40: {  	(xrf1) =	vunique.msk.u32 $0xffff, v3;
	_ =	sdelay $0xd  }
0x41: {  	v4 =	vimm.s32 $0xFFFFFFFF;
	v5, _, _ =	vpop (xrf1)  }
0x42: {  	vm5 =	vne.s32 v3, v4;
	vm4 =	veq.s32 v5, v2  }
0x43: {  	vm6 =	vlt.u32 v3, $0x2800;
	vm4 =	vmand vm5, vm4  }
0x44: {  	vm4 =	vmand vm6, vm4  }
0x45: {  	v4 =	vnsel vm4, $0xFFFFFFFF, v3  }
0x46: {  	s31 =	sand.u32 $0x1, s0  }
0x47: {  	s0 =	simm.s32 $0x1F40;
	p1 =	seq.s32 s31, $0x1  }
0x48: {  	s0 =	simm.s32 @!p1 $0x0  }
0x49: {  	s26 =	sadd.s32 $0x7DF0, s0;
	(ifvalue) =	ssetifvalue $0xFFFFFFFF  }
0x4a: {  	v3 =	vperm.xlane v3, v1;
	[tilespmem:s26], [sflag:$0x8] =	stream.indirect_vreg.gather [hbm4b:s1+s16], $0x1, v4, vm0, $0x4038;
	v4 =	vnsel vm6, $0xFFFFFFFE, v4;
	[tilespmem:$0x11A60] =	vst v63  }
0x4b: {  	s2 =	simm.s32 $0x0;
	s22 =	sadd.s32 $0xFFFFFFF0, s28;
	[tilespmem:s28+$0x0] =	vst v4  }
.LBB2_3:
0x4c: {  	v4 =	vld.msk [tilespmem:s22+$0x0 ss:$0x1], $0xffff;
	s2 =	sadd.s32 $0x10, s2;
	v5 =	vmov v3;
	s28 =	smov.u32 s22  }
0x4d: {  	p1 =	slt.u32 s2, $0x1F30;
	_ =	sdelay $0x4  }
0x4e: {  	v3 =	vperm.xlane v4, v1;
	(xrf1) =	vunique.msk.u32 $0xffff, v4;
	_ =	sdelay $0xd  }
0x4f: {  	v6, _, _ =	vpop (xrf1)  }
0x50: {  	vm5 =	vne.s32 v4, v5;
	vm4 =	veq.s32 v6, v2  }
0x51: {  	vm6 =	vlt.u32 v4, $0x2800;
	vm4 =	vmand vm5, vm4  }
0x52: {  	vm4 =	vmand vm6, vm4  }
0x53: {  	v4 =	vnsel vm4, $0xFFFFFFFF, v4  }
.Ltmp3:
0x54: {  	v5 =	vnsel vm6, $0xFFFFFFFE, v4;
	(pc) =	sbr.rel @p1 .LBB2_3-.Ltmp3, $3  }
0x55: {  	_ =	sdelay $0x1  }
0x56: {  	s22 =	sadd.s32 $0xFFFFFFF0, s22;
	s26 =	sadd.s32 $0xFFFFFFF0, s26;
	(ifvalue) =	ssetifvalue $0xFFFFFFFF  }
0x57: {  	[tilespmem:s26], [sflag:$0x8] =	stream.indirect_vreg.gather [hbm4b:s1+s16], $0x1, v4, vm0, $0x4038;
	[tilespmem:s28+$0x0] =	vst v5  }
0x58: {  	s2 =	sshrl.u32 s25, $0x3  }
0x59: {  	s0 =	sadd.s32 $0x9D40, s0;
	s2 =	sadd.s32 s6, s2  }
0x5a: {  	[tilespmem:s0], [sflag:$0x8] =	stream.linear.gather [hbm:s2], $0x1F40, $0x38;
	[tilespmem:$0x11A60] =	vst v63  }
.LBB2_5:
0x5b: {  	p1 =	slt.u32 s24, $0x2  }
0x5c: {  	p2 =	sge.u32 @!p1 s24, s12  }
0x5d: {  	p1 =	por p1, p2  }
.Ltmp4:
0x5e: {  	_ = 	snop;
	(pc) =	sbr.rel @p1 .LBB2_9-.Ltmp4, $1  }
0x5f: {  	_ =	sdelay $0x3  }
0x60: {  	s0 =	sadd.s32 $0xFFFFFFFE, s24  }
0x61: {  	s2 =	smulhi.u32 $0xAAAAAAAB, s0;
	_ =	sdelay $0x1  }
0x62: {  	s2 =	sshrl.u32 s2, $0x1  }
0x63: {  	s2 =	smul.u32 $0x3, s2;
	_ =	sdelay $0x1  }
0x64: {  	s0 =	ssub.s32 s0, s2  }
0x65: {  	_ =	swait.ge [sflag:s8], $0x3E80;
	s0 =	smul.u32 $0x1F40, s0  }
0x66: {  	p1 =	sne.s32 s24, s11;
	[sflag:s8] =	ssyncset.done $0x0  }
0x67: {  	[sflag:s8] =	ssyncadd.s32 $0xFFFFC180;
	s2 =	sadd.s32 @!p1 $0x203F, s0  }
0x68: {  	[spmem:s13] =	stream.linear.scatter @!p1 [tilespmem:s2], [sflag:$0x1], $0x1, $0x38;
	[tilespmem:$0x11A60] =	vst v63  }
0x69: {  	s2 =	simm.s32 @!p1 $0x1  }
0x6a: {  	_ =	swait.ge @!p1 [sflag:s2], $0x1  }
0x6b: {  	s22 =	sshll.u32 s24, $0x4;
	[sflag:s2] =	ssyncset.done @!p1 $0x0  }
0x6c: {  	s25 =	sand.u32 $0x10, s22;
	[sflag:s2] =	ssyncadd.s32 @!p1 $0xFFFFFFFF  }
0x6d: {  	s2 =	sxor.u32 $0x10, s25;
	v4 =	vld [tilespmem:s25+$0x10]  }
0x6e: {  	v5 =	vld [tilespmem:s2+$0x60]  }
0x6f: {  	v3 =	vld [tilespmem:$0x80];
	_ =	sdelay $0x2  }
0x70: {  	(v2sf) =	vpush v4, $0x0  }
0x71: {  	(v2sf) =	vpush v5, $0x0  }
0x72: {  	(v2sf) =	vpush v3, $0x0;
	_ =	sdelay $0xc  }
0x73: {  	s22 =	spop (v2sf)  }
0x74: {  	s26 =	spop (v2sf)  }
0x75: {  	s28 =	spop (v2sf)  }
0x76: {  	p2 =	seq.s32 s22, s26;
	p3 =	seq.s32 s28, s22  }
0x77: {  	p3 =	por p2, p3  }
0x78: {  	s26 =	sand.u32 $0x1, s24;
	v4 =	vpsel p3, $0xFFFFFFFF, v4  }
0x79: {  	s29 =	smul.u32 $0x1F40, s26;
	[tilespmem:s25+$0x10] =	vst.msk $0x1, v4  }
0x7a: {  	v4 =	vld [tilespmem:$0x30]  }
0x7b: {  	v5 =	vld [tilespmem:s29+$0x9D40]  }
0x7c: {  	v6 =	vld [tilespmem:s25+$0x40];
	_ =	sdelay $0x3  }
0x7d: {  	vm4 =	vmmov vm1;
	v5 =	vadd.f32 v5, v4  }
0x7e: {  	vm5 =	vmmov vm2;
	vm4 =	vmmov @p2 vm2;
	s22 =	sshll.u32 s26, $0x4;
	v4 =	vadd.f32 v6, v4  }
0x7f: {  	s26 =	sor.u32 $0x11A40, s22;
	vm5 =	vmmov @p3 vm1;
	[tilespmem:s29+$0x9D40] =	vst.msk vm4, v5  }
0x80: {  	[tilespmem:s26+$0x0] =	vst.msk vm5, v4  }
0x81: {  	v4 =	vld [tilespmem:s29+$0x7DF0];
	_ =	sdelay $0x3  }
0x82: {  	v5 =	vimm.f32 $0.0e+00  }
0x83: {  	v4 =	vshift.insert v4, v5, s21  }
0x84: {  	s22 =	sor.u32 $0x40, s2  }
0x85: {  	[tilespmem:s22+$0x0] =	vst.msk $0x1, v4  }
0x86: {  	[tilespmem:s29+$0x7DFF] =	vst.msk $0x1, v5  }
0x87: {  	v4 =	vld [tilespmem:s0+$0x2030];
	_ =	sdelay $0x1  }
0x88: {  	s22 =	smulhi.u32 $0xAAAAAAAB, s20;
	s0 =	simm.s32 $0x1  }
0x89: {  	s0 =	simm.s32 @!p0 $0x0  }
0x8a: {  	s22 =	sshrl.u32 s22, $0x1;
	s0 =	smul.u32 $0x7D00, s0  }
0x8b: {  	s22 =	smul.u32 $0xFFFE8900, s22;
	v4 =	vshift.insert v4, v1, s21  }
0x8c: {  	s0 =	sshrl.u32 s0, $0x2  }
0x8d: {  	s22 =	sshra.s32 s22, $0x2;
	s30 =	sadd.s32 $0x9D40, s0;
	[tilespmem:s2+$0x10] =	vst.msk $0x1, v4  }
0x8e: {  	s22 =	sadd.s32 s22, s19;
	v6 =	vld [tilespmem:s30+$0x0]  }
0x8f: {  	v7 =	vld [tilespmem:s22+$0x0];
	_ =	sdelay $0x3  }
0x90: {  	v5 =	vadd.f32 v6, v5  }
0x91: {  	vm4 =	vne.s32 v7, $0xFFFFFFFF  }
0x92: {  	(xrf2) =	vadd.seg.scan.f32 vm4, v5;
	_ =	sdelay $0x3  }
0x93: {  	s31 =	sadd.s32 $0x5EC0, s0;
	v5 =	vperm.xlane v4, v1  }
0x94: {  	v6 =	vld [tilespmem:s31+$0x0]  }
0x95: {  	vm5 =	veq.s32 v7, v3;
	vm6 =	veq.s32 v7, v5  }
0x96: {  	vm7 =	vgt.u32 v7, $0xFFFFFFFD;
	vm6 =	vmor vm6, vm5  }
0x97: {  	vm6 =	vmor vm6, vm7  }
0x98: {  	v9 =	vld [tilespmem:$0xA0];
	v7 =	vsel vm6, $0xFFFFFFFF, v7  }
0x99: {  	v10 =	vld [tilespmem:$0x90];
	v6 =	vsel vm5, $0x0, v6;
	v8, _, _ =	vpop (xrf2)  }
0x9a: {  	v6 =	vadd.f32 v8, v6  }
0x9b: {  	s0 =	sadd.s32 $0xDBC0, s0  }
0x9c: {  	vm4 =	vmand vm4, vm3;
	[tilespmem:s0+$0x0] =	vst v6;
	(ifvalue) =	ssetifvalue $0xFFFFFFFF  }
0x9d: {  	vm6 =	veq.s32 v9, $0x1;
	[hbm4b:s1+s16] =	stream.indirect_vreg.scatter [tilespmem:s0], [sflag:$0x2], $0x1, v7, vm0, $0x4038;
	v7 =	vsel vm4, $0x0, v8;
	[tilespmem:$0x11A60] =	vst v63  }
0x9e: {  	s2 =	simm.s32 $0x0;
	s22 =	sadd.s32 $0x10, s22;
	vm4 =	vmor vm6, vm5;
	v6 =	vsel vm5, v8, v10;
	v7 =	vshift.insert v7, v0, s21  }
.LBB2_7:
0x9f: {  	v8 =	vld [tilespmem:s22+$0x0];
	s30 =	sadd.s32 $0x10, s30  }
0xa0: {  	s31 =	sadd.s32 $0x10, s31;
	v9 =	vld [tilespmem:s30+$0x0]  }
0xa1: {  	s2 =	sadd.s32 $0x10, s2;
	v10 =	vld [tilespmem:s31+$0x0]  }
0xa2: {  	p2 =	slt.u32 s2, $0x1F30;
	_ =	sdelay $0x2  }
0xa3: {  	v7 =	vadd.f32 v9, v7  }
0xa4: {  	vm5 =	vne.s32 v8, $0xFFFFFFFF  }
0xa5: {  	vm6 =	vmand vm5, vm3;
	(xrf2) =	vadd.seg.scan.f32 vm5, v7;
	_ =	sdelay $0x5  }
0xa6: {  	vm7 =	veq.s32 v8, v5;
	vm5 =	veq.s32 v8, v3  }
0xa7: {  	vm8 =	vgt.u32 v8, $0xFFFFFFFD;
	vm4 =	vmor vm4, vm5;
	vm7 =	vmor vm7, vm5  }
0xa8: {  	vm7 =	vmor vm7, vm8  }
0xa9: {  	v8 =	vsel vm7, $0xFFFFFFFF, v8  }
.Ltmp5:
0xaa: {  	v7 =	vsel vm5, $0x0, v10;
	v9, _, _ =	vpop (xrf2);
	(pc) =	sbr.rel @p2 .LBB2_7-.Ltmp5, $4  }
0xab: {  	v6 =	vsel vm5, v9, v6;
	v10 =	vadd.f32 v9, v7;
	v7 =	vsel vm6, $0x0, v9  }
0xac: {  	s0 =	sadd.s32 $0x10, s0;
	v7 =	vshift.insert v7, v0, s21  }
0xad: {  	s22 =	sadd.s32 $0x10, s22;
	[tilespmem:s0+$0x0] =	vst v10;
	(ifvalue) =	ssetifvalue $0xFFFFFFFF  }
0xae: {  	[hbm4b:s1+s16] =	stream.indirect_vreg.scatter [tilespmem:s0], [sflag:$0x2], $0x1, v8, vm0, $0x4038;
	[tilespmem:$0x11A60] =	vst v63  }
0xaf: {  	v3 =	vld [tilespmem:s29+$0xFAF0];
	_ =	sdelay $0x4  }
0xb0: {  	v3 =	vshift.insert v3, v0, s21  }
0xb1: {  	s0 =	simm.s32 $0x30  }
0xb2: {  	[tilespmem:s0+$0x0] =	vst.msk $0x1, v3  }
0xb3: {  	v3 =	vsel vm4, $0x1, v1;
	[tilespmem:$0x90] =	vst v6  }
0xb4: {  	s0 =	sadd.s32 @!p1 $0xFAFF, s29;
	[tilespmem:$0xA0] =	vst v3  }
0xb5: {  	[spmem:s14] =	stream.linear.scatter @!p1 [tilespmem:s0], [sflag:$0x1], $0x1, $0x38;
	[tilespmem:$0x11A60] =	vst v63  }
0xb6: {  	s0 =	simm.s32 @!p1 $0x1  }
0xb7: {  	v3 =	vmctz.xlane @!p1 vm4;
	_ =	swait.ge @!p1 [sflag:s0], $0x1  }
0xb8: {  	(v2sf) =	vpush @!p1 v4, $0x0  }
0xb9: {  	(v2sf) =	vpush @!p1 v3, $0x0;
	_ =	sdelay $0xd  }
0xba: {  	s2 =	spop @!p1 (v2sf)  }
0xbb: {  	s22 =	spop @!p1 (v2sf)  }
0xbc: {  	p2 =	sne.s32 @!p1 s28, s2;
	p3 =	slt.s32 @!p1 s22, $0xF  }
0xbd: {  	[sflag:s0] =	ssyncset.done @!p1 $0x0;
	p2 =	por p2, p1;
	p3 =	por !p3, p1  }
0xbe: {  	[sflag:s0] =	ssyncadd.s32 @!p1 $0xFFFFFFFF;
	v3 =	vimm.s32 @!p2 $0xFFFFFFFF;
	s22 =	simm.s32 @p3 $0xF  }
0xbf: {  	[tilespmem:$0x80] =	vst @!p2 v3;
	s2 =	sadd.s32 @!p1 $0x90, s22  }
0xc0: {  	[spmem:s10] =	stream.linear.scatter @!p1 [tilespmem:s2], [sflag:$0x1], $0x1, $0x38;
	[tilespmem:$0x11A60] =	vst v63  }
0xc1: {  	_ =	swait.ge @!p1 [sflag:s0], $0x1  }
0xc2: {  	[sflag:s0] =	ssyncset.done @!p1 $0x0  }
0xc3: {  	s2 =	simm.s32 @!p1 $0x80;
	[sflag:s0] =	ssyncadd.s32 @!p1 $0xFFFFFFFF  }
0xc4: {  	[spmem:s15] =	stream.linear.scatter @!p1 [tilespmem:s2], [sflag:$0x1], $0x1, $0x38;
	[tilespmem:$0x11A60] =	vst v63  }
0xc5: {  	_ =	swait.ge @!p1 [sflag:s0], $0x1  }
0xc6: {  	[sflag:s0] =	ssyncset.done @!p1 $0x0  }
0xc7: {  	[sflag:s0] =	ssyncadd.s32 @!p1 $0xFFFFFFFF;
	(ifvalue) =	ssetifvalue $0xFFFFFFFF;
	v3 =	vld [tilespmem:s25+$0x10];
	_ =	sdelay $0x3  }
.Ltmp6:
0xc8: {  	_ = 	snop;
	(pc) =	sbr.rel .LBB2_9-.Ltmp6, $3  }
0xc9: {  	_ =	sdelay $0x1  }
0xca: {  	(ifvalue) =	ssetifvalue $0xFFFFFFFF  }
0xcb: {  	[hbm4b:s1+s16] =	stream.indirect_vreg.scatter [tilespmem:s26], [sflag:$0x9], $0x1, v3, vm0, $0x4038;
	[tilespmem:$0x11A60] =	vst v63  }
.LBB2_10:
0xcc: {  	_ =	sfence.sel $0x180000  }
0xcd: {  	s0 =	simm.s32 $0x7;
	[bflag:$0x0] =	sbarrier.arrive $0xFFFF  }
0xce: {  	s26 =	simm.s32 $0x8;
	[sflag:s0] =	ssyncpa.u1 $0x1  }
0xcf: {  	s28 =	simm.s32 $0x9;
	[sflag:s26] =	ssyncpa.u1 $0x1  }
0xd0: {  	[sflag:s28] =	ssyncpa.u1 $0x1  }
0xd1: {  	_ =	sfence.stream.spmem  }
0xd2: {  	s29 =	simm.s32 $0x3;
	[bflag:$0x0] =	sbarrier.arrive $0xFFFF  }
0xd3: {  	s30 =	simm.s32 $0x4;
	[sflag:s29] =	ssyncpa.u1 $0x1  }
0xd4: {  	s31 =	simm.s32 $0x3C;
	s2 =	stileid.u32;
	[sflag:s30] =	ssyncpa.u1 $0x1  }
0xd5: {  	p0 =	sne.s32 s2, $0x0;
	[sflag:s31] =	ssyncpa.u1 $0x1  }
0xd6: {  	s0 =	simm.s32 @p0 $0x1;
	_ =	sfence @p0  }
0xd7: {  	[sflag:s0] =	ssyncpa.u1 @p0 $0x1;
	s0 =	simm.s32 @p0 $0x2  }
0xd8: {  	[sflag:s0] =	ssyncpa.u1 @p0 $0x1  }
0xd9: {  	_ =	strace @p0 $0x9000004D  }
0xda: {  	[bflag:$0x2] =	sbarrier.arrive @p0 $0xFFFF  }
0xdb: {  	_ =	shalt @p0  }
.LBB2_11:
0xdc: {  	_ =	sfence.stream.spmem;
	s0 =	simm.s32 $0x5  }
0xdd: {  	s2 =	simm.s32 $0x80;
	s3 =	simm.s32 $0xC0;
	[sflag:s0] =	ssyncpa.u1 $0x0  }
0xde: {  	[tilespmem:s3], [sflag:$0x5] =	stream.linear.gather [spmem:s2], $0x20, $0x38;
	[tilespmem:$0x11A60] =	vst v63  }
0xdf: {  	s2 =	simm.s32 $0x0;
	s3 =	simm.s32 $0xE0  }
0xe0: {  	[tilespmem:s3], [sflag:$0x5] =	stream.linear.gather [spmem:s2], $0x20, $0x38;
	[tilespmem:$0x11A60] =	vst v63  }
.Ltmp7:
0xe1: {  	_ = 	snop;
	(pc) =	sbr.rel .LBB2_12-.Ltmp7, $4  }
0xe2: {  	_ =	swait.ge [sflag:s0], $0x40  }
0xe3: {  	[sflag:s0] =	ssyncset.done $0x0  }
0xe4: {  	s31 =	simm.s32 $0x6;
	[sflag:s0] =	ssyncadd.s32 $0xFFFFFFC0  }
0xe5: {  	s4 =	simm.s32 $0x0;
	[sflag:s31] =	ssyncpa.u1 $0x0  }
.LBB2_17:
0xe6: {  	p0 =	sgt.u32 s5, $0x27FF  }
0xe7: {  	s0 =	sshrl.u32 @!p0 s5, $0x3  }
0xe8: {  	s5 =	sand.u32 @!p0 $0x7, s5;
	s6 =	simm.s32 @!p0 $0xB0;
	s0 =	sadd.s32 @!p0 s1, s0  }
0xe9: {  	[tilespmem:s6], [sflag:$0x6] =	stream.linear.gather @!p0 [hbm4b:s0+s5], $0x1, $0x38;
	[tilespmem:$0x11A60] =	vst v63  }
0xea: {  	s0 =	simm.s32 @!p0 $0x6  }
0xeb: {  	_ =	swait.ge @!p0 [sflag:s0], $0x1  }
0xec: {  	[sflag:s0] =	ssyncset.done @!p0 $0x0  }
0xed: {  	[sflag:s0] =	ssyncadd.s32 @!p0 $0xFFFFFFFF  }
0xee: {  	v2 =	vmov @!p0 s4;
	v1 =	vld.msk @!p0 [tilespmem:$0xB0], $0x1;
	_ =	sdelay $0x3  }
0xef: {  	s0 =	simm.s32 @!p0 $0xE0  }
0xf0: {  	[tilespmem:v2+s0+$0x0], v1 =	vst.idx.ret.add.f32.msk @!p0 $0x1, v1  }
0xf1: {  	[tilespmem:s2+$0xC0] =	vst.msk $0x1, v0  }
0xf2: {  	v0 =	vld.msk [tilespmem:s4+$0xE0], $0x1;
	_ =	sdelay $0x4  }
0xf3: {  	[tilespmem:s2+$0xE0] =	vst.msk $0x1, v0;
	s2 =	sadd.s32 $0x1, s2  }
.LBB2_19:
0xf4: {  	s4 =	sadd.s32 $0x1, s4  }
0xf5: {  	p0 =	sne.s32 s4, $0x20  }
.Ltmp8:
0xf6: {  	_ = 	snop;
	(pc) =	sbr.rel @!p0 .LBB2_20-.Ltmp8, $1  }
0xf7: {  	_ =	sdelay $0x3  }
.LBB2_12:
0xf8: {  	v0 =	vld.msk [tilespmem:s4+$0xC0], $0x1;
	_ =	sdelay $0x4  }
0xf9: {  	(v2sf) =	vpush v0, $0x0;
	_ =	sdelay $0xe  }
0xfa: {  	s5 =	spop (v2sf)  }
0xfb: {  	p0 =	seq.s32 s5, $0xFFFFFFFF  }
.Ltmp9:
0xfc: {  	_ = 	snop;
	(pc) =	sbr.rel @p0 .LBB2_19-.Ltmp9, $1  }
0xfd: {  	_ =	sdelay $0x3  }
0xfe: {  	p0 =	slt.s32 s2, $0x1  }
.Ltmp10:
0xff: {  	_ = 	snop;
	(pc) =	sbr.rel @p0 .LBB2_17-.Ltmp10, $1  }
0x100: {  	_ =	sdelay $0x3  }
0x101: {  	s0 =	simm.s32 $0xC0;
	p0 =	por $0x0, $0x0  }
0x102: {  	v1 =	vld.msk @!p0 [tilespmem:s0+$0x0], $0x1;
	_ =	sdelay $0x4  }
0x103: {  	(v2sf) =	vpush @!p0 v1, $0x0;
	_ =	sdelay $0xd  }
0x104: {  	p2 =	sne.s32 s2, $0x1  }
.Ltmp11:
0x105: {  	s6 =	spop @!p0 (v2sf);
	(pc) =	sbr.rel @!p2 .LBB2_16-.Ltmp11, $4  }
0x106: {  	p1 =	seq.s32 @!p0 s5, s6  }
0x107: {  	s6 =	simm.s32 $0x0;
	p1 =	por !p1, p0  }
0x108: {  	s8 =	simm.s32 $0xFFFFFFFF;
	s6 =	simm.s32 @p1 $0xFFFFFFFF  }
0x109: {  	s7 =	simm.s32 $0x1;
	s6 =	smov.u32 @p0 s8  }
.LBB2_15:
0x10a: {  	s8 =	smov.u32 s6;
	p0 =	sne.s32 s6, $0xFFFFFFFF  }
0x10b: {  	s0 =	sadd.s32 $0x1, s0;
	s6 =	smov.u32 s7;
	s7 =	sadd.s32 $0x1, s7  }
0x10c: {  	p1 =	sne.s32 s2, s7;
	v1 =	vld.msk @!p0 [tilespmem:s0+$0x0], $0x1;
	_ =	sdelay $0x4  }
0x10d: {  	(v2sf) =	vpush @!p0 v1, $0x0;
	_ =	sdelay $0xe  }
.Ltmp12:
0x10e: {  	s9 =	spop @!p0 (v2sf);
	(pc) =	sbr.rel @p1 .LBB2_15-.Ltmp12, $4  }
0x10f: {  	p2 =	seq.s32 @!p0 s5, s9  }
0x110: {  	p2 =	por !p2, p0  }
0x111: {  	s6 =	simm.s32 @p2 $0xFFFFFFFF  }
0x112: {  	s6 =	smov.u32 @p0 s8  }
.LBB2_16:
0x113: {  	p0 =	sne.s32 s6, $0xFFFFFFFF  }
.Ltmp13:
0x114: {  	_ = 	snop;
	(pc) =	sbr.rel @!p0 .LBB2_17-.Ltmp13, $1  }
0x115: {  	_ =	sdelay $0x3  }
0x116: {  	v0 =	vld.msk [tilespmem:s4+$0xE0], $0x1;
	v1 =	vmov s6  }
.Ltmp14:
0x117: {  	_ = 	snop;
	(pc) =	sbr.rel .LBB2_19-.Ltmp14, $2  }
0x118: {  	_ =	sdelay $0x2  }
0x119: {  	[tilespmem:v1+s3+$0x0], v0 =	vst.idx.ret.add.f32.msk $0x1, v0  }
.LBB2_20:
0x11a: {  	p0 =	slt.s32 s2, $0x1  }
.Ltmp15:
0x11b: {  	_ = 	snop;
	(pc) =	sbr.rel @p0 .LBB2_24-.Ltmp15, $3  }
0x11c: {  	_ =	sdelay $0x1  }
0x11d: {  	s0 =	simm.s32 $0x6  }
0x11e: {  	s3 =	simm.s32 $0x0;
	[sflag:s0] =	ssyncpa.u1 $0x1  }
0x11f: {  	s0 =	simm.s32 $0xC0  }
0x120: {  	v0 =	vld.msk [tilespmem:s0+$0x0], $0x1;
	_ =	sdelay $0x4  }
0x121: {  	(v2sf) =	vpush v0, $0x0;
	_ =	sdelay $0xe  }
0x122: {  	s2 =	sadd.s32 $0xFFFFFFFF, s2;
	s4 =	spop (v2sf)  }
0x123: {  	p1 =	sne.s32 s2, $0x0;
	p0 =	sgt.u32 s4, $0x27FF  }
.Ltmp16:
0x124: {  	s5 =	sshrl.u32 @!p0 s4, $0x3;
	(pc) =	sbr.rel @!p1 .LBB2_23-.Ltmp16, $4  }
0x125: {  	s0 =	simm.s32 $0xE0;
	s4 =	sand.u32 @!p0 $0x7, s4;
	s5 =	sadd.s32 @!p0 s1, s5  }
0x126: {  	[hbm4b:s5+s4] =	stream.linear.scatter @!p0 [tilespmem:s0], [sflag:$0x5], $0x1, $0x38;
	[tilespmem:$0x11A60] =	vst v63  }
0x127: {  	s5 =	simm.s32 $0x0  }
0x128: {  	s4 =	simm.s32 $0xC1;
	s5 =	simm.s32 @!p0 $0x4  }
.LBB2_22:
0x129: {  	v0 =	vld.msk [tilespmem:s4+$0x0], $0x1;
	s2 =	sadd.s32 $0xFFFFFFFF, s2;
	s3 =	sadd.s32 s3, s5  }
0x12a: {  	p0 =	sne.s32 s2, $0x0;
	_ =	sdelay $0x3  }
0x12b: {  	(v2sf) =	vpush v0, $0x0;
	_ =	sdelay $0xe  }
.Ltmp17:
0x12c: {  	s6 =	spop (v2sf);
	(pc) =	sbr.rel @p0 .LBB2_22-.Ltmp17, $4  }
0x12d: {  	s5 =	simm.s32 $0x0;
	p1 =	sgt.u32 s6, $0x27FF  }
0x12e: {  	s0 =	sadd.s32 $0x1, s0;
	s5 =	simm.s32 @!p1 $0x4;
	s7 =	sshrl.u32 @!p1 s6, $0x3  }
0x12f: {  	s4 =	sadd.s32 $0x1, s4;
	s6 =	sand.u32 @!p1 $0x7, s6;
	s7 =	sadd.s32 @!p1 s1, s7  }
0x130: {  	[hbm4b:s7+s6] =	stream.linear.scatter @!p1 [tilespmem:s0], [sflag:$0x5], $0x1, $0x38;
	[tilespmem:$0x11A60] =	vst v63  }
.LBB2_23:
0x131: {  	s0 =	sadd.s32 s3, s5  }
0x132: {  	s3 =	sshrl.u32 s0, $0x2  }
.LBB2_24:
0x133: {  	s0 =	simm.s32 $0x5  }
0x134: {  	_ =	swait.ge [sflag:s0], s3  }
0x135: {  	s1 =	ssub.s32 $0x0, s3;
	[sflag:s0] =	ssyncset.done $0x0  }
0x136: {  	[sflag:s0] =	ssyncadd.s32 s1  }
0x137: {  	[sflag:s0] =	ssyncpa.u1 $0x1  }
0x138: {  	s29 =	simm.s32 $0x1;
	_ =	sfence  }
0x139: {  	s30 =	simm.s32 $0x2;
	[sflag:s29] =	ssyncpa.u1 $0x1  }
0x13a: {  	[sflag:s30] =	ssyncpa.u1 $0x1  }
0x13b: {  	_ =	strace $0x9000004D  }
0x13c: {  	[bflag:$0x2] =	sbarrier.arrive $0xFFFF  }
0x13d: {  	s31 =	rddreg [dreg:$0x2]  }
0x13e: {  	s0 =	sadd.s32 $0x100000, s31  }
0x13f: {  	[sflag:s0] =	ssyncadd.tile.s32 $0x1;
	_ =	shalt  }
.Lfunc_end2:
_tile_overlayer_lowered:
.L_overlay_start_2:
0x140: {  	(tag) =	ssettag $0x2  }
0x141: {  	s0 =	rddreg [dreg:$0x0];
	s2 =	stileid.u32  }
0x142: {  	s1 =	rddreg [dreg:$0x1];
	p0 =	sne.s32 s2, $0x0  }
0x143: {  	s3 =	rddreg [dreg:$0x2];
	[bflag:$0x3] =	sbarrier.arrive $0xFFFF;
	s2 =	simm.s32 @!p0 $0x1C01  }
0x144: {  	[timem:s3], [sflag:s2] =	dma.local @!p0 [hbm:s0], s1  }
0x145: {  	s0 =	simm.s32 @!p0 $0x1  }
0x146: {  	_ =	swait.ge @!p0 [sflag:s0], s1  }
0x147: {  	s1 =	ssub.s32 @!p0 $0x0, s1;
	[sflag:s0] =	ssyncset.done @!p0 $0x0  }
0x148: {  	[sflag:s0] =	ssyncadd.s32 @!p0 s1  }
0x149: {  	[bflag:$0x3] =	sbarrier.arrive $0xFFFF  }
0x14a: {  	_ =	shalt  }

// kernel: scatter_offload_async_start.2
scs
__scs_entry_jumppad:
0x0: {  	(pc) =	sbr.rel $0x88, $3  }
0x1: {  	(tag) =	ssettag $0x0;
	lr =	simm.s32 $0x1  }
0x2: {  	[smem:$0x3F90] =	sst lr;
	_ =	strace $0xD0000000  }
0x3: {  	_ = 	snop  }
0x4: {  	_ = 	snop  }
0x5: {  	_ = 	snop  }
0x6: {  	_ = 	snop  }
0x7: {  	_ = 	snop  }
__scs_overlays_trampoline_lowered:
0x8: {  	[smem:$0x3F9F] =	sst s0  }
0x9: {  	[smem:$0x3FA0] =	sst s1  }
0xa: {  	[smem:$0x3FA1] =	sst s2  }
0xb: {  	[smem:$0x3FA2] =	sst s3  }
0xc: {  	[smem:$0x3FA3] =	sst s4  }
0xd: {  	[smem:$0x3FA4] =	sst s5  }
0xe: {  	[smem:$0x3FA5] =	sst s6  }
0xf: {  	[smem:$0x3FA6] =	sst s7  }
0x10: {  	[smem:$0x3FA7] =	sst s8  }
0x11: {  	[smem:$0x3FA8] =	sst s9;
	s0 =	simm.s32 @!p0 $0x0  }
0x12: {  	s1 =	sld [smem:$0x3F8E];
	s0 =	simm.s32 @p0 $0x1  }
0x13: {  	[smem:$0x3FA9] =	sst s0;
	s0 =	simm.s32 @!p1 $0x0  }
0x14: {  	s2 =	sld [smem:$0x3F8D];
	s0 =	simm.s32 @p1 $0x1  }
0x15: {  	[smem:$0x3FAA] =	sst s0;
	s0 =	simm.s32 @!p2 $0x0  }
0x16: {  	s3 =	sld [smem:$0x3FDB];
	s0 =	simm.s32 @p2 $0x1  }
0x17: {  	s4 =	simm.s32 $0x1BF5;
	[smem:$0x3FAC] =	sst s0  }
0x18: {  	s0 =	sld [smem:$0x3F8F];
	_ =	swait.ge [sflag:s4], $0x0  }
0x19: {  	s7 =	sld [smem:$0x3F90]  }
0x1a: {  	s8 =	sadd.s32 $0xFFFFE003, lr  }
0x1b: {  	s9 =	sadd.s32 $0xFFFFFEF7, lr;
	s5 =	simm.s32 $0xFFFFFFFF;
	p2 =	slt.u32 s8, $0xFFFFF086  }
0x1c: {  	p1 =	slt.u32 s9, $0xF7A;
	s5 =	simm.s32 @!p2 $0x0  }
0x1d: {  	s5 =	simm.s32 @p1 $0x1;
	p0 =	seq.s32 s7, s2  }
0x1e: {  	s7 =	smul.u32 @!p0 $0xF7A, s2;
	p2 =	seq.s32 @!p0 s5, $0x0  }
0x1f: {  	s9 =	smul.u32 $0xF7A, s1;
	s8 =	simm.s32 @!p0 $0x1BF5;
	p2 =	por !p2, p0  }
0x20: {  	[sflag:s8] =	ssyncset.s32 @!p0 $0xFFFFF086;
	s6 =	sadd.s32 @!p0 s3, s7;
	s7 =	simm.s32 @!p0 $0x108  }
0x21: {  	s3 =	sadd.s32 s3, s9;
	s6 =	sadd.s32 @!p0 $0x88, s6;
	s7 =	simm.s32 @p2 $0x1082  }
0x22: {  	[simem:s7], [sflag:s8] =	dma.local @!p0 [hbm:s6], $0xF7A  }
0x23: {  	s9 =	sor.u32 $0xD0000000, s2;
	s6 =	simm.s32 $0x108;
	_ =	swait.ge @!p0 [sflag:s8], $0x0  }
0x24: {  	s3 =	sadd.s32 $0x88, s3;
	s6 =	simm.s32 @!p1 $0x1082;
	[sflag:s4] =	ssyncset.s32 $0xFFFFF086  }
0x25: {  	[simem:s6], [sflag:s4] =	dma.local [hbm:s3], $0xF7A  }
0x26: {  	[smem:$0x3F90] =	sst s1;
	(tag) =	ssettag s2;
	_ =	strace s9  }
0x27: {  	s1 =	sld [smem:$0x3FA0]  }
0x28: {  	s2 =	sld [smem:$0x3FA1]  }
0x29: {  	s4 =	sld [smem:$0x3FA3]  }
0x2a: {  	p0 =	seq.s32 s5, $0x0;
	s5 =	sld [smem:$0x3FA4]  }
0x2b: {  	s6 =	sld [smem:$0x3FA5]  }
0x2c: {  	s7 =	sld [smem:$0x3FA6]  }
0x2d: {  	s3 =	simm.s32 $0x108;
	s8 =	sld [smem:$0x3FA7]  }
0x2e: {  	s3 =	simm.s32 @!p0 $0x1082;
	s9 =	sld [smem:$0x3FA8]  }
0x2f: {  	lr =	sadd.s32 s0, s3;
	s0 =	sld [smem:$0x3F9F]  }
0x30: {  	s3 =	sld [smem:$0x3FA2]  }
0x31: {  	[smem:$0x3FAB] =	sst s10  }
0x32: {  	s10 =	sld [smem:$0x3FA9];
	_ =	sdelay $0x3  }
0x33: {  	p0 =	seq.s32 s10, $0x1;
	s10 =	sld [smem:$0x3FAB];
	_ =	sdelay $0x3  }
0x34: {  	[smem:$0x3FAB] =	sst s10  }
0x35: {  	s10 =	sld [smem:$0x3FAA];
	_ =	sdelay $0x3  }
0x36: {  	p1 =	seq.s32 s10, $0x1;
	s10 =	sld [smem:$0x3FAB];
	_ =	sdelay $0x3  }
0x37: {  	[smem:$0x3FAB] =	sst s10  }
0x38: {  	s10 =	sld [smem:$0x3FAC]  }
0x39: {  	_ = 	snop;
	(pc) =	sbr.ind lr, $3  }
0x3a: {  	_ = 	snop  }
0x3b: {  	_ = 	snop  }
0x3c: {  	p2 =	seq.s32 s10, $0x1;
	s10 =	sld [smem:$0x3FAB]  }
0x3d: {  	_ =	shalt  }
0x3e: {  	_ =	shalt  }
0x3f: {  	_ =	shalt  }
0x40: {  	_ =	shalt  }
0x41: {  	_ =	shalt  }
0x42: {  	_ =	shalt  }
0x43: {  	_ =	shalt  }
0x44: {  	_ =	shalt  }
0x45: {  	_ =	shalt  }
0x46: {  	_ =	shalt  }
0x47: {  	_ =	shalt  }
0x48: {  	_ =	shalt  }
0x49: {  	_ =	shalt  }
0x4a: {  	_ =	shalt  }
0x4b: {  	_ =	shalt  }
0x4c: {  	_ =	shalt  }
0x4d: {  	_ =	shalt  }
0x4e: {  	_ =	shalt  }
0x4f: {  	_ =	shalt  }
0x50: {  	_ =	shalt  }
0x51: {  	_ =	shalt  }
0x52: {  	_ =	shalt  }
0x53: {  	_ =	shalt  }
0x54: {  	_ =	shalt  }
0x55: {  	_ =	shalt  }
0x56: {  	_ =	shalt  }
0x57: {  	_ =	shalt  }
0x58: {  	_ =	shalt  }
0x59: {  	_ =	shalt  }
0x5a: {  	_ =	shalt  }
0x5b: {  	_ =	shalt  }
0x5c: {  	_ =	shalt  }
0x5d: {  	_ =	shalt  }
0x5e: {  	_ =	shalt  }
0x5f: {  	_ =	shalt  }
0x60: {  	_ =	shalt  }
0x61: {  	_ =	shalt  }
0x62: {  	_ =	shalt  }
0x63: {  	_ =	shalt  }
0x64: {  	_ =	shalt  }
0x65: {  	_ =	shalt  }
0x66: {  	_ =	shalt  }
0x67: {  	_ =	shalt  }
0x68: {  	_ =	shalt  }
0x69: {  	_ =	shalt  }
0x6a: {  	_ =	shalt  }
0x6b: {  	_ =	shalt  }
0x6c: {  	_ =	shalt  }
0x6d: {  	_ =	shalt  }
0x6e: {  	_ =	shalt  }
0x6f: {  	_ =	shalt  }
0x70: {  	_ =	shalt  }
0x71: {  	_ =	shalt  }
0x72: {  	_ =	shalt  }
0x73: {  	_ =	shalt  }
0x74: {  	_ =	shalt  }
0x75: {  	_ =	shalt  }
0x76: {  	_ =	shalt  }
0x77: {  	_ =	shalt  }
0x78: {  	_ =	shalt  }
0x79: {  	_ =	shalt  }
0x7a: {  	_ =	shalt  }
0x7b: {  	_ =	shalt  }
0x7c: {  	_ =	shalt  }
0x7d: {  	_ =	shalt  }
0x7e: {  	_ =	shalt  }
0x7f: {  	_ =	shalt  }
0x80: {  	_ =	shalt  }
0x81: {  	_ =	shalt  }
0x82: {  	_ =	shalt  }
0x83: {  	_ =	shalt  }
0x84: {  	_ =	shalt  }
0x85: {  	_ =	shalt  }
0x86: {  	_ =	shalt  }
0x87: {  	_ =	shalt  }
.Lfunc_end0:
.L_simem_size_0:
called_computation.2_lowered:
.L_overlay_start_0:
0x88: {  	s0 =	sld [smem:$0x3FD9]  }
0x89: {  	s1 =	sld [smem:$0x3FFE];
	_ =	sdelay $0x3  }
0x8a: {  	s0 =	sadd.s32 s1, s0  }
0x8b: {  	[smem:$0x3FB7] =	sst s0  }
0x8c: {  	_ = 	snop  }
0x8d: {  	s0 =	sld [smem:$0x3FD0];
	(tm) =	ssettm $0x1  }
0x8e: {  	s16 =	sld [smem:$0x3FFB];
	_ =	sdelay $0x3  }
0x8f: {  	_ =	strace s16  }
0x90: {  	s1 =	sld [smem:$0x3FFC];
	_ =	sdelay $0x3  }
0x91: {  	_ =	strace s1  }
0x92: {  	s1 =	sld [smem:$0x3FFD];
	_ =	sdelay $0x3  }
0x93: {  	_ =	strace s1  }
0x94: {  	_ =	strace $0x8FFFFFFF  }
0x95: {  	s17 =	sld [smem:$0x3FDB];
	_ =	sdelay $0x1  }
0x96: {  	s2 =	simm.s32 $_scs_section_size  }
0x97: {  	s3 =	simm.s32 $_size__tile_overlayer_lowered;
	s4 =	simm.s32 $_tile_overlayer_lowered  }
0x98: {  	s20 =	simm.s32 $0x1BFF;
	s19 =	sshll.u32 s4, $0x1;
	s1 =	sadd.s32 s2, s17  }
0x99: {  	s5 =	simm.s32 $0x0;
	s18 =	sshll.u32 s3, $0x1;
	s3 =	sadd.s32 s19, s1  }
0x9a: {  	[timem:s5], [sflag:s20] =	dma.local [hbm:s3], s18  }
0x9b: {  	_ =	swait.ge [sflag:s20], s18  }
0x9c: {  	s2 =	ssub.s32 $0x0, s18;
	[sflag:s20] =	ssyncset.done $0x0  }
0x9d: {  	[sflag:s20] =	ssyncadd.s32 s2;
	_ =	sdelay $0x1  }
0x9e: {  	s21 =	simm.s32 $0x1B8B  }
0x9f: {  	_ =	swait.ge [sflag:s21], $0x1  }
0xa0: {  	[sflag:s21] =	ssyncset.done $0x0  }
0xa1: {  	s23 =	simm.s32 $0x1B8E;
	s22 =	sld [smem:$0x3FFE];
	[sflag:s21] =	ssyncadd.s32 $0xFFFFFFFF  }
0xa2: {  	s24 =	simm.s32 $execute0_lowered;
	[smem:$0x3FD2] =	sst s23  }
0xa3: {  	s3 =	sshll.u32 s24, $0x1;
	_ =	strace $0x80000046;
	[dreg:$0x1] =	wrdreg $0xFFFFFFFF  }
0xa4: {  	s25 =	simm.s32 $_size_execute0_lowered;
	s1 =	sadd.s32 s1, s3;
	[dreg:$0x0] =	wrdreg $0x0  }
0xa5: {  	s3 =	sshll.u32 s25, $0x1;
	[dreg:$0x2] =	wrdreg s1  }
0xa6: {  	[dreg:$0x3] =	wrdreg s3  }
0xa7: {  	[dreg:$0x4] =	wrdreg $0xC0  }
0xa8: {  	_ =	task [dreg:s5], $0x5FFFF  }
0xa9: {  	[dreg:$0x1] =	wrdreg $0xFFFFFFFF  }
0xaa: {  	[dreg:$0x0] =	wrdreg $0x60  }
0xab: {  	[dreg:$0x2] =	wrdreg s22  }
0xac: {  	[dreg:$0x3] =	wrdreg s0  }
0xad: {  	[dreg:$0x4] =	wrdreg $0x9  }
0xae: {  	_ =	task.clear_ibuf [dreg:s5], $0x5FFFF;
	_ =	strace $0x90000046  }
0xaf: {  	s26 =	simm.s32 $0x9;
	_ =	strace $0x80000048  }
0xb0: {  	_ =	swait.ge [sflag:s26], $0x1  }
0xb1: {  	[sflag:s26] =	ssyncadd.s32 $0xFFFFFFFF  }
0xb2: {  	_ =	strace $0x90000048  }
0xb3: {  	_ =	sfence  }
0xb4: {  	s28 =	sld [smem:$0x0];
	_ =	sdelay $0x1  }
0xb5: {  	s29 =	srdreg.scid  }
0xb6: {  	s30 =	sshll.u32 s29, $0xD;
	s31 =	sshrl.u32 s29, $0x2  }
0xb7: {  	s2 =	sand.u32 $0x4000, s30;
	s1 =	sand.u32 $0x1, s29;
	s0 =	sadd.s32 s31, s28  }
0xb8: {  	s1 =	sor.u32 s2, s1;
	s0 =	sshll.u32 s0, $0x11  }
0xb9: {  	s0 =	sor.u32 s0, s1  }
0xba: {  	s0 =	sadd.s32 $0x8F2B, s0  }
0xbb: {  	[sflag:s0] =	ssyncadd.remote.s32 $0x1  }
0xbc: {  	_ =	sfence.sel $0xFFFF  }
0xbd: {  	[dreg:$0x0] =	wrdreg $0xFFFFFFFF;
	(pc) =	sbr.abs _section_cstart, $3  }
0xbe: {  	[dreg:$0x1] =	wrdreg $0xFFFFFFFF  }
0xbf: {  	_ =	task.clear_ibuf [dreg:s5], $0x2FFFF;
	_ =	strace $0x9FFFFFFF  }
0xc0: {  	(tm) =	ssettm $0x7FFFFFFF  }
0xc1: {  	_ =	shalt  }
tec
execute0_lowered:
.L_overlay_start_1:
0x0: {  	(tag) =	ssettag $0x1  }
0x1: {  	s7 =	rddreg [dreg:$0x0]  }
0x2: {  	s2 =	rddreg [dreg:$0x1]  }
0x3: {  	s0 =	rddreg [dreg:$0x2]  }
0x4: {  	_ =	strace $0x80000047;
	s4 =	stileid.u32;
	s5 =	simm.s32 $0x3E  }
0x5: {  	s1 =	sadd.s32 $0x5F400, s7;
	p0 =	sne.s32 s4, $0x0;
	[sflag:s5] =	ssyncpa.u1 $0x0  }
0x6: {  	s30 =	smin.u32 s4, $0x9;
	s3 =	simm.s32 @!p0 $0x1C3E;
	s6 =	simm.s32 @!p0 $0x0  }
0x7: {  	[spmem:s6], [sflag:s3] =	dma.local @!p0 [hbm:s1], $0x10  }
0x8: {  	s3 =	sadd.s32 s4, s30  }
0x9: {  	p1 =	slt.u32 s4, $0x9;
	s4 =	simm.s32 $0x320;
	s3 =	smul.u32 $0x190, s3  }
0xa: {  	s4 =	simm.s32 @!p1 $0x190  }
0xb: {  	s4 =	sadd.s32 s4, s3  }
0xc: {  	s4 =	smin.u32 s4, $0x2710  }
0xd: {  	s8 =	ssub.s32 s4, s3  }
0xe: {  	p1 =	sgt.s32 s8, $0x0  }
0xf: {  	s8 =	simm.s32 @!p1 $0x0  }
0x10: {  	s9 =	sand.u32 $0xFFF0, s8  }
0x11: {  	s9 =	sshrl.u32 s9, $0x4  }
0x12: {  	s6 =	simm.s32 @!p0 $0x3E;
	s31 =	smul.u32 $0xA3E, s9  }
0x13: {  	_ =	swait.ge @!p0 [sflag:s6], $0x10  }
0x14: {  	[sflag:s6] =	ssyncset.done @!p0 $0x0;
	s9 =	sshrl.u32 s31, $0x10  }
0x15: {  	s11 =	simm.s32 $0x0;
	[sflag:s6] =	ssyncadd.s32 @!p0 $0xFFFFFFF0;
	s10 =	smul.u32 $0x190, s9  }
.Ltmp0:
0x16: {  	s7 =	sadd.s32 $0x5F600, s7;
	[bflag:$0x0] =	sbarrier.arrive $0xFFFF;
	(pc) =	sbr.rel .LBB2_1-.Ltmp0, $4  }
0x17: {  	s6 =	simm.s32 $0x2;
	[sflag:s5] =	ssyncpa.u1 $0x1;
	s5 =	simm.s32 $0x1  }
0x18: {  	[sflag:s5] =	ssyncpa.u1 $0x0;
	p1 =	sne.s32 s8, s10;
	s8 =	simm.s32 $0x1  }
0x19: {  	(ifvalue) =	ssetifvalue $0x80;
	[sflag:s6] =	ssyncpa.u1 $0x0;
	s8 =	simm.s32 @!p1 $0x0  }
0x1a: {  	vm0 =	vmmov $0xffff;
	s10 =	smov.u32 s3;
	s8 =	sadd.s32 s9, s8;
	s9 =	simm.s32 $0x0  }
.LBB2_5:
0x1b: {  	p2 =	sne.s32 s11, s8  }
.Ltmp1:
0x1c: {  	_ = 	snop;
	(pc) =	sbr.rel @!p2 .LBB2_6-.Ltmp1, $4  }
0x1d: {  	_ = 	snop  }
0x1e: {  	s12 =	sadd.s32 $0x190, s10  }
0x1f: {  	s10 =	smov.u32 s3;
	s13 =	sadd.s32 $0x1, s11;
	p1 =	slt.s32 s12, s4  }
0x20: {  	s11 =	smov.u32 s13;
	s10 =	smov.u32 @p1 s12  }
.LBB2_1:
0x21: {  	p1 =	sge.u32 s11, s8  }
0x22: {  	s12 =	sxor.u32 @!p1 $0xFFFFFFFF, s11  }
0x23: {  	s12 =	sand.u32 @!p1 $0x1, s12  }
0x24: {  	s12 =	smul.u32 @!p1 $0x190, s12  }
0x25: {  	s13 =	sshrl.u32 @!p1 s10, $0x3  }
0x26: {  	s16 =	sand.u32 @!p1 $0x7, s10;
	s14 =	sadd.s32 @!p1 s2, s13;
	s15 =	sor.u32 @!p1 $0x8, s12  }
0x27: {  	[tilespmem:s15], [sflag:$0x2] =	stream.linear.gather @!p1 [hbm4b:s14+s16], $0x190, $0x38;
	[tilespmem:$0x648] =	vst v63  }
0x28: {  	s13 =	sadd.s32 @!p1 s7, s13;
	s12 =	sadd.s32 @!p1 $0x328, s12  }
0x29: {  	[tilespmem:s12], [sflag:$0x2] =	stream.linear.gather @!p1 [hbm4b:s13+s16], $0x190, $0x38;
	[tilespmem:$0x648] =	vst v63  }
0x2a: {  	p1 =	seq.s32 s11, $0x0  }
.Ltmp2:
0x2b: {  	_ = 	snop;
	(pc) =	sbr.rel @p1 .LBB2_5-.Ltmp2, $1  }
0x2c: {  	_ =	sdelay $0x3  }
0x2d: {  	s12 =	sand.u32 $0x1, s11  }
0x2e: {  	_ =	swait.ge [sflag:s6], $0x320;
	p1 =	seq.s32 s12, $0x1;
	s12 =	simm.s32 $0x190  }
0x2f: {  	[sflag:s6] =	ssyncset.done $0x0;
	s12 =	simm.s32 @!p1 $0x0  }
0x30: {  	[sflag:s6] =	ssyncadd.s32 $0xFFFFFCE0;
	s14 =	sor.u32 $0x8, s12  }
0x31: {  	v0 =	vld.msk [tilespmem:s14+$0x0 ss:$0x1], $0xffff;
	_ =	sdelay $0x4  }
0x32: {  	v0 =	vmin.u32 v0, $0x80;
	_ =	sdelay $0x3  }
0x33: {  	s13 =	simm.s32 $0x0;
	s12 =	sadd.s32 $0x328, s12;
	s14 =	sadd.s32 $0x10, s14  }
0x34: {  	[spmem:s9] =	stream.indirect_vreg.scatter.add.s32 [tilespmem:s12], [sflag:$0x1], $0x1, v0, vm0, $0x4038;
	[tilespmem:$0x648] =	vst v63  }
.LBB2_3:
0x35: {  	v0 =	vld.msk [tilespmem:s14+$0x0 ss:$0x1], $0xffff;
	s13 =	sadd.s32 $0x10, s13  }
0x36: {  	p1 =	slt.u32 s13, $0x180;
	_ =	sdelay $0x4  }
0x37: {  	v0 =	vmin.u32 v0, $0x80  }
.Ltmp3:
0x38: {  	(pc) =	sbr.rel @p1 .LBB2_3-.Ltmp3, $3  }
0x39: {  	_ =	sdelay $0x1  }
0x3a: {  	s14 =	sadd.s32 $0x10, s14;
	s12 =	sadd.s32 $0x10, s12  }
0x3b: {  	[spmem:s9] =	stream.indirect_vreg.scatter.add.s32 [tilespmem:s12], [sflag:$0x1], $0x1, v0, vm0, $0x4038;
	[tilespmem:$0x648] =	vst v63  }
.Ltmp4:
0x3c: {  	(pc) =	sbr.rel .LBB2_5-.Ltmp4, $4  }
0x3d: {  	_ = 	snop  }
0x3e: {  	_ =	swait.ge [sflag:s5], $0x190  }
0x3f: {  	[sflag:s5] =	ssyncset.done $0x0  }
0x40: {  	[sflag:s5] =	ssyncadd.s32 $0xFFFFFE70  }
.LBB2_6:
0x41: {  	_ =	sfence.sel $0x180000  }
0x42: {  	s2 =	simm.s32 $0x2;
	[bflag:$0x0] =	sbarrier.arrive $0xFFFF  }
0x43: {  	s30 =	simm.s32 $0x1;
	[sflag:s2] =	ssyncpa.u1 $0x1  }
0x44: {  	[sflag:s30] =	ssyncpa.u1 $0x1  }
0x45: {  	_ =	sfence.stream.spmem  }
0x46: {  	s31 =	simm.s32 $0x3D;
	[bflag:$0x0] =	sbarrier.arrive $0xFFFF  }
0x47: {  	s2 =	simm.s32 @p0 $0x3D;
	[sflag:s31] =	ssyncpa.u1 $0x0  }
0x48: {  	[sflag:s2] =	ssyncpa.u1 @p0 $0x1  }
0x49: {  	[bflag:$0x0] =	sbarrier.arrive @p0 $0xFFFF  }
0x4a: {  	_ =	strace @p0 $0x90000047  }
0x4b: {  	s3 =	simm.s32 @!p0 $0x1C3D;
	s2 =	simm.s32 @!p0 $0x0;
	[bflag:$0x2] =	sbarrier.arrive @p0 $0xFFFF  }
0x4c: {  	[hbm:s1], [sflag:s3] =	dma.local @!p0 [spmem:s2], $0x10  }
0x4d: {  	s1 =	simm.s32 @!p0 $0x3D  }
0x4e: {  	_ =	swait.ge @!p0 [sflag:s1], $0x10  }
0x4f: {  	[sflag:s1] =	ssyncset.done @!p0 $0x0  }
0x50: {  	[sflag:s1] =	ssyncadd.s32 @!p0 $0xFFFFFFF0  }
0x51: {  	[sflag:s1] =	ssyncpa.u1 @!p0 $0x1  }
0x52: {  	[bflag:$0x0] =	sbarrier.arrive @!p0 $0xFFFF  }
0x53: {  	_ =	strace @!p0 $0x90000047  }
0x54: {  	s0 =	sadd.s32 @!p0 $0x100000, s0;
	[bflag:$0x2] =	sbarrier.arrive @!p0 $0xFFFF  }
0x55: {  	[sflag:s0] =	ssyncadd.tile.s32 @!p0 $0x1;
	_ =	shalt  }
.Lfunc_end2:
_tile_overlayer_lowered:
.L_overlay_start_2:
0x56: {  	(tag) =	ssettag $0x2  }
0x57: {  	s0 =	rddreg [dreg:$0x0];
	s2 =	stileid.u32  }
0x58: {  	s1 =	rddreg [dreg:$0x1];
	p0 =	sne.s32 s2, $0x0  }
0x59: {  	s3 =	rddreg [dreg:$0x2];
	[bflag:$0x3] =	sbarrier.arrive $0xFFFF;
	s2 =	simm.s32 @!p0 $0x1C01  }
0x5a: {  	[timem:s3], [sflag:s2] =	dma.local @!p0 [hbm:s0], s1  }
0x5b: {  	s0 =	simm.s32 @!p0 $0x1  }
0x5c: {  	_ =	swait.ge @!p0 [sflag:s0], s1  }
0x5d: {  	s1 =	ssub.s32 @!p0 $0x0, s1;
	[sflag:s0] =	ssyncset.done @!p0 $0x0  }
0x5e: {  	[sflag:s0] =	ssyncadd.s32 @!p0 s1  }
0x5f: {  	[bflag:$0x3] =	sbarrier.arrive $0xFFFF  }
0x60: {  	_ =	shalt  }

// kernel: scatter_offload_async_start
scs
__scs_entry_jumppad:
0x0: {  	(pc) =	sbr.rel $0x88, $3  }
0x1: {  	(tag) =	ssettag $0x0;
	lr =	simm.s32 $0x1  }
0x2: {  	[smem:$0x3F90] =	sst lr;
	_ =	strace $0xD0000000  }
0x3: {  	_ = 	snop  }
0x4: {  	_ = 	snop  }
0x5: {  	_ = 	snop  }
0x6: {  	_ = 	snop  }
0x7: {  	_ = 	snop  }
__scs_overlays_trampoline_lowered:
0x8: {  	[smem:$0x3F9F] =	sst s0  }
0x9: {  	[smem:$0x3FA0] =	sst s1  }
0xa: {  	[smem:$0x3FA1] =	sst s2  }
0xb: {  	[smem:$0x3FA2] =	sst s3  }
0xc: {  	[smem:$0x3FA3] =	sst s4  }
0xd: {  	[smem:$0x3FA4] =	sst s5  }
0xe: {  	[smem:$0x3FA5] =	sst s6  }
0xf: {  	[smem:$0x3FA6] =	sst s7  }
0x10: {  	[smem:$0x3FA7] =	sst s8  }
0x11: {  	[smem:$0x3FA8] =	sst s9;
	s0 =	simm.s32 @!p0 $0x0  }
0x12: {  	s1 =	sld [smem:$0x3F8E];
	s0 =	simm.s32 @p0 $0x1  }
0x13: {  	[smem:$0x3FA9] =	sst s0;
	s0 =	simm.s32 @!p1 $0x0  }
0x14: {  	s2 =	sld [smem:$0x3F8D];
	s0 =	simm.s32 @p1 $0x1  }
0x15: {  	[smem:$0x3FAA] =	sst s0;
	s0 =	simm.s32 @!p2 $0x0  }
0x16: {  	s3 =	sld [smem:$0x3FDB];
	s0 =	simm.s32 @p2 $0x1  }
0x17: {  	s4 =	simm.s32 $0x1BF5;
	[smem:$0x3FAC] =	sst s0  }
0x18: {  	s0 =	sld [smem:$0x3F8F];
	_ =	swait.ge [sflag:s4], $0x0  }
0x19: {  	s7 =	sld [smem:$0x3F90]  }
0x1a: {  	s8 =	sadd.s32 $0xFFFFE003, lr  }
0x1b: {  	s9 =	sadd.s32 $0xFFFFFEF7, lr;
	s5 =	simm.s32 $0xFFFFFFFF;
	p2 =	slt.u32 s8, $0xFFFFF086  }
0x1c: {  	p1 =	slt.u32 s9, $0xF7A;
	s5 =	simm.s32 @!p2 $0x0  }
0x1d: {  	s5 =	simm.s32 @p1 $0x1;
	p0 =	seq.s32 s7, s2  }
0x1e: {  	s7 =	smul.u32 @!p0 $0xF7A, s2;
	p2 =	seq.s32 @!p0 s5, $0x0  }
0x1f: {  	s9 =	smul.u32 $0xF7A, s1;
	s8 =	simm.s32 @!p0 $0x1BF5;
	p2 =	por !p2, p0  }
0x20: {  	[sflag:s8] =	ssyncset.s32 @!p0 $0xFFFFF086;
	s6 =	sadd.s32 @!p0 s3, s7;
	s7 =	simm.s32 @!p0 $0x108  }
0x21: {  	s3 =	sadd.s32 s3, s9;
	s6 =	sadd.s32 @!p0 $0x88, s6;
	s7 =	simm.s32 @p2 $0x1082  }
0x22: {  	[simem:s7], [sflag:s8] =	dma.local @!p0 [hbm:s6], $0xF7A  }
0x23: {  	s9 =	sor.u32 $0xD0000000, s2;
	s6 =	simm.s32 $0x108;
	_ =	swait.ge @!p0 [sflag:s8], $0x0  }
0x24: {  	s3 =	sadd.s32 $0x88, s3;
	s6 =	simm.s32 @!p1 $0x1082;
	[sflag:s4] =	ssyncset.s32 $0xFFFFF086  }
0x25: {  	[simem:s6], [sflag:s4] =	dma.local [hbm:s3], $0xF7A  }
0x26: {  	[smem:$0x3F90] =	sst s1;
	(tag) =	ssettag s2;
	_ =	strace s9  }
0x27: {  	s1 =	sld [smem:$0x3FA0]  }
0x28: {  	s2 =	sld [smem:$0x3FA1]  }
0x29: {  	s4 =	sld [smem:$0x3FA3]  }
0x2a: {  	p0 =	seq.s32 s5, $0x0;
	s5 =	sld [smem:$0x3FA4]  }
0x2b: {  	s6 =	sld [smem:$0x3FA5]  }
0x2c: {  	s7 =	sld [smem:$0x3FA6]  }
0x2d: {  	s3 =	simm.s32 $0x108;
	s8 =	sld [smem:$0x3FA7]  }
0x2e: {  	s3 =	simm.s32 @!p0 $0x1082;
	s9 =	sld [smem:$0x3FA8]  }
0x2f: {  	lr =	sadd.s32 s0, s3;
	s0 =	sld [smem:$0x3F9F]  }
0x30: {  	s3 =	sld [smem:$0x3FA2]  }
0x31: {  	[smem:$0x3FAB] =	sst s10  }
0x32: {  	s10 =	sld [smem:$0x3FA9];
	_ =	sdelay $0x3  }
0x33: {  	p0 =	seq.s32 s10, $0x1;
	s10 =	sld [smem:$0x3FAB];
	_ =	sdelay $0x3  }
0x34: {  	[smem:$0x3FAB] =	sst s10  }
0x35: {  	s10 =	sld [smem:$0x3FAA];
	_ =	sdelay $0x3  }
0x36: {  	p1 =	seq.s32 s10, $0x1;
	s10 =	sld [smem:$0x3FAB];
	_ =	sdelay $0x3  }
0x37: {  	[smem:$0x3FAB] =	sst s10  }
0x38: {  	s10 =	sld [smem:$0x3FAC]  }
0x39: {  	_ = 	snop;
	(pc) =	sbr.ind lr, $3  }
0x3a: {  	_ = 	snop  }
0x3b: {  	_ = 	snop  }
0x3c: {  	p2 =	seq.s32 s10, $0x1;
	s10 =	sld [smem:$0x3FAB]  }
0x3d: {  	_ =	shalt  }
0x3e: {  	_ =	shalt  }
0x3f: {  	_ =	shalt  }
0x40: {  	_ =	shalt  }
0x41: {  	_ =	shalt  }
0x42: {  	_ =	shalt  }
0x43: {  	_ =	shalt  }
0x44: {  	_ =	shalt  }
0x45: {  	_ =	shalt  }
0x46: {  	_ =	shalt  }
0x47: {  	_ =	shalt  }
0x48: {  	_ =	shalt  }
0x49: {  	_ =	shalt  }
0x4a: {  	_ =	shalt  }
0x4b: {  	_ =	shalt  }
0x4c: {  	_ =	shalt  }
0x4d: {  	_ =	shalt  }
0x4e: {  	_ =	shalt  }
0x4f: {  	_ =	shalt  }
0x50: {  	_ =	shalt  }
0x51: {  	_ =	shalt  }
0x52: {  	_ =	shalt  }
0x53: {  	_ =	shalt  }
0x54: {  	_ =	shalt  }
0x55: {  	_ =	shalt  }
0x56: {  	_ =	shalt  }
0x57: {  	_ =	shalt  }
0x58: {  	_ =	shalt  }
0x59: {  	_ =	shalt  }
0x5a: {  	_ =	shalt  }
0x5b: {  	_ =	shalt  }
0x5c: {  	_ =	shalt  }
0x5d: {  	_ =	shalt  }
0x5e: {  	_ =	shalt  }
0x5f: {  	_ =	shalt  }
0x60: {  	_ =	shalt  }
0x61: {  	_ =	shalt  }
0x62: {  	_ =	shalt  }
0x63: {  	_ =	shalt  }
0x64: {  	_ =	shalt  }
0x65: {  	_ =	shalt  }
0x66: {  	_ =	shalt  }
0x67: {  	_ =	shalt  }
0x68: {  	_ =	shalt  }
0x69: {  	_ =	shalt  }
0x6a: {  	_ =	shalt  }
0x6b: {  	_ =	shalt  }
0x6c: {  	_ =	shalt  }
0x6d: {  	_ =	shalt  }
0x6e: {  	_ =	shalt  }
0x6f: {  	_ =	shalt  }
0x70: {  	_ =	shalt  }
0x71: {  	_ =	shalt  }
0x72: {  	_ =	shalt  }
0x73: {  	_ =	shalt  }
0x74: {  	_ =	shalt  }
0x75: {  	_ =	shalt  }
0x76: {  	_ =	shalt  }
0x77: {  	_ =	shalt  }
0x78: {  	_ =	shalt  }
0x79: {  	_ =	shalt  }
0x7a: {  	_ =	shalt  }
0x7b: {  	_ =	shalt  }
0x7c: {  	_ =	shalt  }
0x7d: {  	_ =	shalt  }
0x7e: {  	_ =	shalt  }
0x7f: {  	_ =	shalt  }
0x80: {  	_ =	shalt  }
0x81: {  	_ =	shalt  }
0x82: {  	_ =	shalt  }
0x83: {  	_ =	shalt  }
0x84: {  	_ =	shalt  }
0x85: {  	_ =	shalt  }
0x86: {  	_ =	shalt  }
0x87: {  	_ =	shalt  }
.Lfunc_end0:
.L_simem_size_0:
called_computation_lowered:
.L_overlay_start_0:
0x88: {  	s0 =	sld [smem:$0x3FD9]  }
0x89: {  	s1 =	sld [smem:$0x3FFE];
	_ =	sdelay $0x3  }
0x8a: {  	s0 =	sadd.s32 s1, s0  }
0x8b: {  	[smem:$0x3FB7] =	sst s0  }
0x8c: {  	_ = 	snop  }
0x8d: {  	s0 =	sld [smem:$0x3FD0];
	(tm) =	ssettm $0x1  }
0x8e: {  	s16 =	sld [smem:$0x3FFB];
	_ =	sdelay $0x3  }
0x8f: {  	_ =	strace s16  }
0x90: {  	s1 =	sld [smem:$0x3FFC];
	_ =	sdelay $0x3  }
0x91: {  	_ =	strace s1  }
0x92: {  	s1 =	sld [smem:$0x3FFD];
	_ =	sdelay $0x3  }
0x93: {  	_ =	strace s1  }
0x94: {  	_ =	strace $0x8FFFFFFF  }
0x95: {  	s17 =	sld [smem:$0x3FDB];
	_ =	sdelay $0x1  }
0x96: {  	s2 =	simm.s32 $_scs_section_size  }
0x97: {  	s3 =	simm.s32 $_size__tile_overlayer_lowered;
	s4 =	simm.s32 $_tile_overlayer_lowered  }
0x98: {  	s20 =	simm.s32 $0x1BFF;
	s19 =	sshll.u32 s4, $0x1;
	s1 =	sadd.s32 s2, s17  }
0x99: {  	s5 =	simm.s32 $0x0;
	s18 =	sshll.u32 s3, $0x1;
	s3 =	sadd.s32 s19, s1  }
0x9a: {  	[timem:s5], [sflag:s20] =	dma.local [hbm:s3], s18  }
0x9b: {  	_ =	swait.ge [sflag:s20], s18  }
0x9c: {  	s2 =	ssub.s32 $0x0, s18;
	[sflag:s20] =	ssyncset.done $0x0  }
0x9d: {  	[sflag:s20] =	ssyncadd.s32 s2;
	_ =	sdelay $0x1  }
0x9e: {  	s21 =	simm.s32 $0x1B8B  }
0x9f: {  	_ =	swait.ge [sflag:s21], $0x1  }
0xa0: {  	[sflag:s21] =	ssyncset.done $0x0  }
0xa1: {  	s23 =	simm.s32 $0x1B8E;
	s22 =	sld [smem:$0x3FFE];
	[sflag:s21] =	ssyncadd.s32 $0xFFFFFFFF  }
0xa2: {  	s24 =	simm.s32 $execute0_lowered;
	[smem:$0x3FD2] =	sst s23  }
0xa3: {  	s3 =	sshll.u32 s24, $0x1;
	_ =	strace $0x80000049;
	[dreg:$0x1] =	wrdreg $0xFFFFFFFF  }
0xa4: {  	s25 =	simm.s32 $_size_execute0_lowered;
	s1 =	sadd.s32 s1, s3;
	[dreg:$0x0] =	wrdreg $0x0  }
0xa5: {  	s3 =	sshll.u32 s25, $0x1;
	[dreg:$0x2] =	wrdreg s1  }
0xa6: {  	[dreg:$0x3] =	wrdreg s3  }
0xa7: {  	[dreg:$0x4] =	wrdreg $0xC0  }
0xa8: {  	_ =	task [dreg:s5], $0x5FFFF  }
0xa9: {  	[dreg:$0x1] =	wrdreg $0xFFFFFFFF  }
0xaa: {  	[dreg:$0x0] =	wrdreg $0x60  }
0xab: {  	[dreg:$0x2] =	wrdreg s0  }
0xac: {  	[dreg:$0x3] =	wrdreg s22  }
0xad: {  	[dreg:$0x4] =	wrdreg $0x9  }
0xae: {  	_ =	task.clear_ibuf [dreg:s5], $0x5FFFF;
	_ =	strace $0x90000049  }
0xaf: {  	s26 =	simm.s32 $0x9;
	_ =	strace $0x8000004B  }
0xb0: {  	_ =	swait.ge [sflag:s26], $0x1  }
0xb1: {  	[sflag:s26] =	ssyncadd.s32 $0xFFFFFFFF  }
0xb2: {  	_ =	strace $0x9000004B  }
0xb3: {  	_ =	sfence  }
0xb4: {  	s28 =	sld [smem:$0x0];
	_ =	sdelay $0x1  }
0xb5: {  	s29 =	srdreg.scid  }
0xb6: {  	s30 =	sshll.u32 s29, $0xD;
	s31 =	sshrl.u32 s29, $0x2  }
0xb7: {  	s2 =	sand.u32 $0x4000, s30;
	s1 =	sand.u32 $0x1, s29;
	s0 =	sadd.s32 s31, s28  }
0xb8: {  	s1 =	sor.u32 s2, s1;
	s0 =	sshll.u32 s0, $0x11  }
0xb9: {  	s0 =	sor.u32 s0, s1  }
0xba: {  	s0 =	sadd.s32 $0x8F2B, s0  }
0xbb: {  	[sflag:s0] =	ssyncadd.remote.s32 $0x1  }
0xbc: {  	_ =	sfence.sel $0xFFFF  }
0xbd: {  	[dreg:$0x0] =	wrdreg $0xFFFFFFFF;
	(pc) =	sbr.abs _section_cstart, $3  }
0xbe: {  	[dreg:$0x1] =	wrdreg $0xFFFFFFFF  }
0xbf: {  	_ =	task.clear_ibuf [dreg:s5], $0x2FFFF;
	_ =	strace $0x9FFFFFFF  }
0xc0: {  	(tm) =	ssettm $0x7FFFFFFF  }
0xc1: {  	_ =	shalt  }
tec
execute0_lowered:
.L_overlay_start_1:
0x0: {  	(tag) =	ssettag $0x1  }
0x1: {  	s1 =	rddreg [dreg:$0x0]  }
0x2: {  	s7 =	rddreg [dreg:$0x1]  }
0x3: {  	s0 =	rddreg [dreg:$0x2]  }
0x4: {  	s3 =	stileid.u32;
	_ =	strace $0x8000004A;
	s4 =	simm.s32 $0x3E  }
0x5: {  	p0 =	sne.s32 s3, $0x0;
	[sflag:s4] =	ssyncpa.u1 $0x0  }
0x6: {  	s30 =	smin.u32 s3, $0x4;
	s2 =	simm.s32 @!p0 $0x1C3E;
	s5 =	simm.s32 @!p0 $0x0  }
0x7: {  	[spmem:s5], [sflag:s2] =	dma.local @!p0 [hbm:s1], $0x500  }
0x8: {  	s2 =	sadd.s32 s3, s30  }
0x9: {  	p1 =	slt.u32 s3, $0x4;
	s3 =	simm.s32 $0x3E80;
	s2 =	smul.u32 $0x1F40, s2  }
0xa: {  	s3 =	simm.s32 @!p1 $0x1F40  }
0xb: {  	s3 =	sadd.s32 s3, s2  }
0xc: {  	s3 =	smin.u32 s3, $0x27100  }
0xd: {  	s8 =	ssub.s32 s3, s2  }
0xe: {  	p1 =	sgt.s32 s8, $0x0  }
0xf: {  	s8 =	simm.s32 @!p1 $0x0  }
0x10: {  	s5 =	simm.s32 @!p0 $0x3E;
	s31 =	smulhi.u32 $0x10624DD3, s8  }
0x11: {  	_ =	swait.ge @!p0 [sflag:s5], $0x500  }
0x12: {  	s6 =	simm.s32 $0x2;
	[sflag:s5] =	ssyncset.done @!p0 $0x0;
	s9 =	sshrl.u32 s31, $0x9  }
0x13: {  	s11 =	simm.s32 $0x0;
	[sflag:s5] =	ssyncadd.s32 @!p0 $0xFFFFFB00;
	s10 =	smul.u32 $0x1F40, s9  }
.Ltmp0:
0x14: {  	s5 =	sadd.s32 $0x55400, s7;
	[bflag:$0x0] =	sbarrier.arrive $0xFFFF;
	(pc) =	sbr.rel .LBB2_1-.Ltmp0, $4  }
0x15: {  	s7 =	sadd.s32 $0x69C00, s7;
	[sflag:s4] =	ssyncpa.u1 $0x1;
	s4 =	simm.s32 $0x1  }
0x16: {  	[sflag:s4] =	ssyncpa.u1 $0x0;
	p1 =	sne.s32 s8, s10;
	s8 =	simm.s32 $0x1  }
0x17: {  	(ifvalue) =	ssetifvalue $0x2800;
	[sflag:s6] =	ssyncpa.u1 $0x0;
	s8 =	simm.s32 @!p1 $0x0  }
0x18: {  	vm0 =	vmmov $0xffff;
	s10 =	smov.u32 s2;
	s8 =	sadd.s32 s8, s9;
	s9 =	simm.s32 $0x0  }
.LBB2_5:
0x19: {  	p2 =	sne.s32 s11, s8  }
.Ltmp1:
0x1a: {  	_ = 	snop;
	(pc) =	sbr.rel @!p2 .LBB2_6-.Ltmp1, $4  }
0x1b: {  	_ = 	snop  }
0x1c: {  	s12 =	sadd.s32 $0x1F40, s10  }
0x1d: {  	s10 =	smov.u32 s2;
	s13 =	sadd.s32 $0x1, s11;
	p1 =	slt.s32 s12, s3  }
0x1e: {  	s11 =	smov.u32 s13;
	s10 =	smov.u32 @p1 s12  }
.LBB2_1:
0x1f: {  	p1 =	sge.u32 s11, s8  }
0x20: {  	s12 =	sxor.u32 @!p1 $0xFFFFFFFF, s11  }
0x21: {  	s12 =	sand.u32 @!p1 $0x1, s12  }
0x22: {  	s12 =	smul.u32 @!p1 $0x1F40, s12  }
0x23: {  	s13 =	sshrl.u32 @!p1 s10, $0x3  }
0x24: {  	s16 =	sand.u32 @!p1 $0x7, s10;
	s14 =	sadd.s32 @!p1 s5, s13;
	s15 =	sadd.s32 @!p1 $0x280, s12  }
0x25: {  	[tilespmem:s15], [sflag:$0x2] =	stream.linear.gather @!p1 [hbm4b:s14+s16], $0x1F40, $0x38;
	[tilespmem:$0x7F80] =	vst v63  }
0x26: {  	s13 =	sadd.s32 @!p1 s7, s13;
	s12 =	sadd.s32 @!p1 $0x4100, s12  }
0x27: {  	[tilespmem:s12], [sflag:$0x2] =	stream.linear.gather @!p1 [hbm4b:s13+s16], $0x1F40, $0x38;
	[tilespmem:$0x7F80] =	vst v63  }
0x28: {  	p1 =	seq.s32 s11, $0x0  }
.Ltmp2:
0x29: {  	_ = 	snop;
	(pc) =	sbr.rel @p1 .LBB2_5-.Ltmp2, $1  }
0x2a: {  	_ =	sdelay $0x3  }
0x2b: {  	s12 =	sand.u32 $0x1, s11  }
0x2c: {  	_ =	swait.ge [sflag:s6], $0x3E80;
	p1 =	seq.s32 s12, $0x1;
	s12 =	simm.s32 $0x1F40  }
0x2d: {  	[sflag:s6] =	ssyncset.done $0x0;
	s12 =	simm.s32 @!p1 $0x0  }
0x2e: {  	[sflag:s6] =	ssyncadd.s32 $0xFFFFC180;
	s14 =	sadd.s32 $0x280, s12  }
0x2f: {  	v0 =	vld.msk [tilespmem:s14+$0x0 ss:$0x1], $0xffff;
	_ =	sdelay $0x4  }
0x30: {  	v0 =	vmin.u32 v0, $0x2800;
	_ =	sdelay $0x3  }
0x31: {  	s13 =	simm.s32 $0x0;
	s12 =	sadd.s32 $0x4100, s12;
	s14 =	sadd.s32 $0x10, s14  }
0x32: {  	[spmem:s9] =	stream.indirect_vreg.scatter.add.s32 [tilespmem:s12], [sflag:$0x1], $0x1, v0, vm0, $0x4038;
	[tilespmem:$0x7F80] =	vst v63  }
.LBB2_3:
0x33: {  	v0 =	vld.msk [tilespmem:s14+$0x0 ss:$0x1], $0xffff;
	s13 =	sadd.s32 $0x10, s13  }
0x34: {  	p1 =	slt.u32 s13, $0x1F30;
	_ =	sdelay $0x4  }
0x35: {  	v0 =	vmin.u32 v0, $0x2800  }
.Ltmp3:
0x36: {  	(pc) =	sbr.rel @p1 .LBB2_3-.Ltmp3, $3  }
0x37: {  	_ =	sdelay $0x1  }
0x38: {  	s14 =	sadd.s32 $0x10, s14;
	s12 =	sadd.s32 $0x10, s12  }
0x39: {  	[spmem:s9] =	stream.indirect_vreg.scatter.add.s32 [tilespmem:s12], [sflag:$0x1], $0x1, v0, vm0, $0x4038;
	[tilespmem:$0x7F80] =	vst v63  }
.Ltmp4:
0x3a: {  	(pc) =	sbr.rel .LBB2_5-.Ltmp4, $4  }
0x3b: {  	_ = 	snop  }
0x3c: {  	_ =	swait.ge [sflag:s4], $0x1F40  }
0x3d: {  	[sflag:s4] =	ssyncset.done $0x0  }
0x3e: {  	[sflag:s4] =	ssyncadd.s32 $0xFFFFE0C0  }
.LBB2_6:
0x3f: {  	_ =	sfence.sel $0x180000  }
0x40: {  	s2 =	simm.s32 $0x2;
	[bflag:$0x0] =	sbarrier.arrive $0xFFFF  }
0x41: {  	s30 =	simm.s32 $0x1;
	[sflag:s2] =	ssyncpa.u1 $0x1  }
0x42: {  	[sflag:s30] =	ssyncpa.u1 $0x1  }
0x43: {  	_ =	sfence.stream.spmem  }
0x44: {  	s31 =	simm.s32 $0x3D;
	[bflag:$0x0] =	sbarrier.arrive $0xFFFF  }
0x45: {  	s2 =	simm.s32 @p0 $0x3D;
	[sflag:s31] =	ssyncpa.u1 $0x0  }
0x46: {  	[sflag:s2] =	ssyncpa.u1 @p0 $0x1  }
0x47: {  	[bflag:$0x0] =	sbarrier.arrive @p0 $0xFFFF  }
0x48: {  	_ =	strace @p0 $0x9000004A  }
0x49: {  	s3 =	simm.s32 @!p0 $0x1C3D;
	s2 =	simm.s32 @!p0 $0x0;
	[bflag:$0x2] =	sbarrier.arrive @p0 $0xFFFF  }
0x4a: {  	[hbm:s1], [sflag:s3] =	dma.local @!p0 [spmem:s2], $0x500  }
0x4b: {  	s1 =	simm.s32 @!p0 $0x3D  }
0x4c: {  	_ =	swait.ge @!p0 [sflag:s1], $0x500  }
0x4d: {  	[sflag:s1] =	ssyncset.done @!p0 $0x0  }
0x4e: {  	[sflag:s1] =	ssyncadd.s32 @!p0 $0xFFFFFB00  }
0x4f: {  	[sflag:s1] =	ssyncpa.u1 @!p0 $0x1  }
0x50: {  	[bflag:$0x0] =	sbarrier.arrive @!p0 $0xFFFF  }
0x51: {  	_ =	strace @!p0 $0x9000004A  }
0x52: {  	s0 =	sadd.s32 @!p0 $0x100000, s0;
	[bflag:$0x2] =	sbarrier.arrive @!p0 $0xFFFF  }
0x53: {  	[sflag:s0] =	ssyncadd.tile.s32 @!p0 $0x1;
	_ =	shalt  }
.Lfunc_end2:
_tile_overlayer_lowered:
.L_overlay_start_2:
0x54: {  	(tag) =	ssettag $0x2  }
0x55: {  	s0 =	rddreg [dreg:$0x0];
	s2 =	stileid.u32  }
0x56: {  	s1 =	rddreg [dreg:$0x1];
	p0 =	sne.s32 s2, $0x0  }
0x57: {  	s3 =	rddreg [dreg:$0x2];
	[bflag:$0x3] =	sbarrier.arrive $0xFFFF;
	s2 =	simm.s32 @!p0 $0x1C01  }
0x58: {  	[timem:s3], [sflag:s2] =	dma.local @!p0 [hbm:s0], s1  }
0x59: {  	s0 =	simm.s32 @!p0 $0x1  }
0x5a: {  	_ =	swait.ge @!p0 [sflag:s0], s1  }
0x5b: {  	s1 =	ssub.s32 @!p0 $0x0, s1;
	[sflag:s0] =	ssyncset.done @!p0 $0x0  }
0x5c: {  	[sflag:s0] =	ssyncadd.s32 @!p0 s1  }
0x5d: {  	[bflag:$0x3] =	sbarrier.arrive $0xFFFF  }
0x5e: {  	_ =	shalt  }

</sc_bundles>
